<compile_context>
chip_gen: v7x
topology: tpu7x:2x2x1
jax: 0.10.2.dev20260603
libtpu: 0.0.44.dev20260713+nightly
codegen_flags: <defaults>
</compile_context>

<pallas_src>
import jax
import jax.numpy as jnp
from jax import lax
from jax.experimental import pallas as pl
from jax.experimental.pallas import tpu as pltpu
from jax.experimental.pallas import tpu_sc as plsc

_B = 16384
_D = 64
_W = 2 * _D
_NC = 2
_NS = 16
_NW = _NC * _NS
_BPW = _B // _NW
_CHUNK = 128
_NCHUNK = _BPW // _CHUNK
_L = 16


def _body(users_hbm, items_hbm, cat_hbm, out_hbm,
          idx_u, idx_i, u_rows, i_rows, out_v, sem_u, sem_i):
    wid = lax.axis_index("s") * _NC + lax.axis_index("c")
    base = wid * _BPW

    for c in range(_NCHUNK):
        off = base + c * _CHUNK
        pltpu.sync_copy(users_hbm.at[pl.ds(off, _CHUNK)], idx_u.at[c])
        pltpu.sync_copy(items_hbm.at[pl.ds(off, _CHUNK)], idx_i.at[c])
        cu = pltpu.async_copy(cat_hbm.at[idx_u.at[c]], u_rows, sem_u)
        ci = pltpu.async_copy(cat_hbm.at[idx_i.at[c]], i_rows, sem_i)
        cu.wait()
        ci.wait()

        def group(g, carry):
            pidx = lax.iota(jnp.int32, _L) + g * _L

            def dstep(d0, acc):
                for dd in range(8):
                    d = d0 * 8 + dd
                    dcol = jnp.zeros((_L,), jnp.int32) + d
                    u = plsc.load_gather(u_rows, [pidx, dcol])
                    v = plsc.load_gather(i_rows, [pidx, dcol + _D])
                    acc = acc + u * v
                return acc

            acc = lax.fori_loop(0, _D // 8, dstep,
                                jnp.zeros((_L,), jnp.float32))
            out_v[pl.ds(c * _CHUNK + g * _L, _L)] = acc
            return carry

        lax.fori_loop(0, _CHUNK // _L, group, 0)

    pltpu.sync_copy(out_v, out_hbm.at[pl.ds(base, _BPW)])


@jax.jit
def kernel(users, items, user_table, item_table):
    cat = jnp.concatenate([user_table, item_table], axis=1)
    mesh = plsc.VectorSubcoreMesh(core_axis_name="c", subcore_axis_name="s")
    k = pl.kernel(
        _body,
        out_type=jax.ShapeDtypeStruct((_B,), jnp.float32),
        mesh=mesh,
        scratch_types=[
            pltpu.VMEM((_NCHUNK, _CHUNK), jnp.int32),
            pltpu.VMEM((_NCHUNK, _CHUNK), jnp.int32),
            pltpu.VMEM((_CHUNK, _W), jnp.float32),
            pltpu.VMEM((_CHUNK, _W), jnp.float32),
            pltpu.VMEM((_BPW,), jnp.float32),
            pltpu.SemaphoreType.DMA,
            pltpu.SemaphoreType.DMA,
        ],
        compiler_params=pltpu.CompilerParams(
            needs_layout_passes=False, use_tc_tiling_on_sc=True),
    )
    return k(users, items, cat)

# --- scband reference (transcript-rebuilt; emitter-appended) ---
"""Pipeline reference for scband-basic-model-62191126446181 (READ-ONLY COPY).

The authoritative reference and input builder live on the scoring server;
editing this copy changes nothing except your own understanding.
"""

import jax, jax.numpy as jnp
import numpy as np

N_USERS = 1000000
N_ITEMS = 1000000
EMBED_DIM = 64
BATCH = 16384


def setup_inputs(seed: int = 0) -> dict:
    key = jax.random.key(seed)
    k1, k2, k3, k4 = jax.random.split(key, 4)
    users = jax.random.randint(k1, (BATCH,), 0, N_USERS, dtype=jnp.int64 if jax.config.jax_enable_x64 else jnp.int32).astype(jnp.int32)
    items = jax.random.randint(k2, (BATCH,), 0, N_ITEMS, dtype=jnp.int32)
    user_table = jax.random.normal(k3, (N_USERS, EMBED_DIM), dtype=jnp.float32)
    item_table = jax.random.normal(k4, (N_ITEMS, EMBED_DIM), dtype=jnp.float32)
    return {"users": users, "items": items, "user_table": user_table, "item_table": item_table}


def reference(users, items, user_table, item_table):
    # computer() in the simplest concrete subclass (PureMF-style) returns the
    # full user/item embedding tables; forward gathers rows and computes the
    # per-pair inner product.
    all_users = user_table
    all_items = item_table
    users_emb = jnp.take(all_users, users, axis=0)
    items_emb = jnp.take(all_items, items, axis=0)
    inner_pro = users_emb * items_emb
    gamma = jnp.sum(inner_pro, axis=1)
    return gamma

if __name__ == "__main__":
    import jax
    _d = setup_inputs()
    print(jax.jit(kernel)(*tuple(_d.values())))

</pallas_src>

<mosaic_0001>
#map = affine_map<(d0, d1) -> (0)>
#map1 = affine_map<(d0, d1) -> (0, 0)>
module attributes {stable_mosaic.version = 14 : i64} {
  func.func @_body(%arg0: i32, %arg1: i32, %arg2: memref<16384xi32, #tpu.memory_space<hbm>>, %arg3: memref<16384xi32, #tpu.memory_space<hbm>>, %arg4: memref<1000000x128xf32, #tpu.memory_space<hbm>>, %arg5: memref<16384xf32, #tpu.memory_space<hbm>>, %arg6: memref<4x128xi32, #tpu.memory_space<vmem>>, %arg7: memref<4x128xi32, #tpu.memory_space<vmem>>, %arg8: memref<128x128xf32, #tpu.memory_space<vmem>>, %arg9: memref<128x128xf32, #tpu.memory_space<vmem>>, %arg10: memref<512xf32, #tpu.memory_space<vmem>>, %arg11: memref<!tpu.dma_semaphore, #tpu.memory_space<semaphore_mem>>, %arg12: memref<!tpu.dma_semaphore, #tpu.memory_space<semaphore_mem>>) attributes {dimension_semantics = [#tpu.dimension_semantics<core_parallel>, #tpu.dimension_semantics<subcore_parallel>], iteration_bounds = array<i64: 2, 16>, scalar_prefetch = 0 : i64, scratch_operands = 7 : i64, tpu.core_type = #tpu.core_type<sc_vector_subcore>, window_params = [{transform_indices = #map}, {transform_indices = #map}, {transform_indices = #map1}, {transform_indices = #map}]} {
    %mul3A = arith.constant 2 : i32
    %mul3A_0 = arith.muli %arg1, %mul3A : i32
    %add3A = arith.addi %mul3A_0, %arg0 : i32
    %mul3A_1 = arith.constant 512 : i32
    %mul3A_2 = arith.muli %add3A, %mul3A_1 : i32
    %add3A_3 = arith.constant 0 : i32
    %add3A_4 = arith.addi %mul3A_2, %add3A_3 : i32
    %run_scoped3A = arith.constant 0 : i32
    "tpu.region"() ({
      %run_scoped3A_151 = tpu.sem_alloc : memref<!tpu.dma_semaphore, #tpu.memory_space<semaphore_mem>>
      %dma_start3A_152 = arith.constant 0 : i32
      %dma_start3A_153 = tpu.memref_slice %arg6[%run_scoped3A, %dma_start3A_152] : memref<4x128xi32, #tpu.memory_space<vmem>> -> memref<1x128xi32, #tpu.memory_space<vmem>>
      %dma_start3A_154 = tpu.memref_squeeze %dma_start3A_153 : memref<1x128xi32, #tpu.memory_space<vmem>> -> memref<128xi32, #tpu.memory_space<vmem>>
      %dma_start3A_155 = tpu.memref_slice %arg2[%add3A_4] : memref<16384xi32, #tpu.memory_space<hbm>> -> memref<128xi32, #tpu.memory_space<hbm>>
      %dma_start3A_156 = arith.constant 0 : i32
      %dma_start3A_157 = tpu.memref_slice %arg6[%run_scoped3A, %dma_start3A_156] : memref<4x128xi32, #tpu.memory_space<vmem>> -> memref<1x128xi32, #tpu.memory_space<vmem>>
      %dma_start3A_158 = tpu.memref_squeeze %dma_start3A_157 : memref<1x128xi32, #tpu.memory_space<vmem>> -> memref<128xi32, #tpu.memory_space<vmem>>
      %dma_start3A_159 = tpu.memref_slice %arg2[%add3A_4] : memref<16384xi32, #tpu.memory_space<hbm>> -> memref<128xi32, #tpu.memory_space<hbm>>
      tpu.enqueue_dma source(%dma_start3A_159 : memref<128xi32, #tpu.memory_space<hbm>>) target(%dma_start3A_158 : memref<128xi32, #tpu.memory_space<vmem>>) target_semaphore(%run_scoped3A_151 : memref<!tpu.dma_semaphore, #tpu.memory_space<semaphore_mem>>)
      %dma_wait3A_160 = arith.constant 0 : i32
      %dma_wait3A_161 = tpu.memref_slice %arg6[%run_scoped3A, %dma_wait3A_160] : memref<4x128xi32, #tpu.memory_space<vmem>> -> memref<1x128xi32, #tpu.memory_space<vmem>>
      %dma_wait3A_162 = tpu.memref_squeeze %dma_wait3A_161 : memref<1x128xi32, #tpu.memory_space<vmem>> -> memref<128xi32, #tpu.memory_space<vmem>>
      %dma_wait3A_163 = tpu.memref_slice %arg2[%add3A_4] : memref<16384xi32, #tpu.memory_space<hbm>> -> memref<128xi32, #tpu.memory_space<hbm>>
      %dma_wait3A_164 = arith.constant 0 : i32
      %dma_wait3A_165 = tpu.memref_slice %arg6[%run_scoped3A, %dma_wait3A_164] : memref<4x128xi32, #tpu.memory_space<vmem>> -> memref<1x128xi32, #tpu.memory_space<vmem>>
      %dma_wait3A_166 = tpu.memref_squeeze %dma_wait3A_165 : memref<1x128xi32, #tpu.memory_space<vmem>> -> memref<128xi32, #tpu.memory_space<vmem>>
      %dma_wait3A_167 = tpu.memref_slice %arg2[%add3A_4] : memref<16384xi32, #tpu.memory_space<hbm>> -> memref<128xi32, #tpu.memory_space<hbm>>
      tpu.wait_dma2 semaphore(%run_scoped3A_151 : memref<!tpu.dma_semaphore, #tpu.memory_space<semaphore_mem>>) src(%dma_wait3A_167 : memref<128xi32, #tpu.memory_space<hbm>>) dst(%dma_wait3A_166 : memref<128xi32, #tpu.memory_space<vmem>>)
      tpu.yield
    }) : () -> ()
    %run_scoped3A_5 = arith.constant 0 : i32
    "tpu.region"() ({
      %run_scoped3A_151 = tpu.sem_alloc : memref<!tpu.dma_semaphore, #tpu.memory_space<semaphore_mem>>
      %dma_start3A_152 = arith.constant 0 : i32
      %dma_start3A_153 = tpu.memref_slice %arg7[%run_scoped3A_5, %dma_start3A_152] : memref<4x128xi32, #tpu.memory_space<vmem>> -> memref<1x128xi32, #tpu.memory_space<vmem>>
      %dma_start3A_154 = tpu.memref_squeeze %dma_start3A_153 : memref<1x128xi32, #tpu.memory_space<vmem>> -> memref<128xi32, #tpu.memory_space<vmem>>
      %dma_start3A_155 = tpu.memref_slice %arg3[%add3A_4] : memref<16384xi32, #tpu.memory_space<hbm>> -> memref<128xi32, #tpu.memory_space<hbm>>
      %dma_start3A_156 = arith.constant 0 : i32
      %dma_start3A_157 = tpu.memref_slice %arg7[%run_scoped3A_5, %dma_start3A_156] : memref<4x128xi32, #tpu.memory_space<vmem>> -> memref<1x128xi32, #tpu.memory_space<vmem>>
      %dma_start3A_158 = tpu.memref_squeeze %dma_start3A_157 : memref<1x128xi32, #tpu.memory_space<vmem>> -> memref<128xi32, #tpu.memory_space<vmem>>
      %dma_start3A_159 = tpu.memref_slice %arg3[%add3A_4] : memref<16384xi32, #tpu.memory_space<hbm>> -> memref<128xi32, #tpu.memory_space<hbm>>
      tpu.enqueue_dma source(%dma_start3A_159 : memref<128xi32, #tpu.memory_space<hbm>>) target(%dma_start3A_158 : memref<128xi32, #tpu.memory_space<vmem>>) target_semaphore(%run_scoped3A_151 : memref<!tpu.dma_semaphore, #tpu.memory_space<semaphore_mem>>)
      %dma_wait3A_160 = arith.constant 0 : i32
      %dma_wait3A_161 = tpu.memref_slice %arg7[%run_scoped3A_5, %dma_wait3A_160] : memref<4x128xi32, #tpu.memory_space<vmem>> -> memref<1x128xi32, #tpu.memory_space<vmem>>
      %dma_wait3A_162 = tpu.memref_squeeze %dma_wait3A_161 : memref<1x128xi32, #tpu.memory_space<vmem>> -> memref<128xi32, #tpu.memory_space<vmem>>
      %dma_wait3A_163 = tpu.memref_slice %arg3[%add3A_4] : memref<16384xi32, #tpu.memory_space<hbm>> -> memref<128xi32, #tpu.memory_space<hbm>>
      %dma_wait3A_164 = arith.constant 0 : i32
      %dma_wait3A_165 = tpu.memref_slice %arg7[%run_scoped3A_5, %dma_wait3A_164] : memref<4x128xi32, #tpu.memory_space<vmem>> -> memref<1x128xi32, #tpu.memory_space<vmem>>
      %dma_wait3A_166 = tpu.memref_squeeze %dma_wait3A_165 : memref<1x128xi32, #tpu.memory_space<vmem>> -> memref<128xi32, #tpu.memory_space<vmem>>
      %dma_wait3A_167 = tpu.memref_slice %arg3[%add3A_4] : memref<16384xi32, #tpu.memory_space<hbm>> -> memref<128xi32, #tpu.memory_space<hbm>>
      tpu.wait_dma2 semaphore(%run_scoped3A_151 : memref<!tpu.dma_semaphore, #tpu.memory_space<semaphore_mem>>) src(%dma_wait3A_167 : memref<128xi32, #tpu.memory_space<hbm>>) dst(%dma_wait3A_166 : memref<128xi32, #tpu.memory_space<vmem>>)
      tpu.yield
    }) : () -> ()
    %dma_start3A = arith.constant 0 : i32
    %dma_start3A_6 = arith.constant 0 : i32
    %dma_start3A_7 = tpu.memref_slice %arg6[%dma_start3A, %dma_start3A_6] : memref<4x128xi32, #tpu.memory_space<vmem>> -> memref<1x128xi32, #tpu.memory_space<vmem>>
    %dma_start3A_8 = tpu.memref_squeeze %dma_start3A_7 : memref<1x128xi32, #tpu.memory_space<vmem>> -> memref<128xi32, #tpu.memory_space<vmem>>
    %dma_start3A_9 = arith.constant 0 : i32
    %dma_start3A_10 = arith.constant 0 : i32
    %dma_start3A_11 = tpu.memref_slice %arg4[%dma_start3A_9, %dma_start3A_10] : memref<1000000x128xf32, #tpu.memory_space<hbm>> -> memref<1000000x128xf32, #tpu.memory_space<hbm>>
    tpu.enqueue_indirect_dma source(%dma_start3A_11 : memref<1000000x128xf32, #tpu.memory_space<hbm>>) target(%arg8 : memref<128x128xf32, #tpu.memory_space<vmem>>) offsets(%dma_start3A_8 : memref<128xi32, #tpu.memory_space<vmem>>) semaphore(%arg11 : memref<!tpu.dma_semaphore, #tpu.memory_space<semaphore_mem>>)
    %dma_start3A_12 = arith.constant 0 : i32
    %dma_start3A_13 = arith.constant 0 : i32
    %dma_start3A_14 = tpu.memref_slice %arg7[%dma_start3A_12, %dma_start3A_13] : memref<4x128xi32, #tpu.memory_space<vmem>> -> memref<1x128xi32, #tpu.memory_space<vmem>>
    %dma_start3A_15 = tpu.memref_squeeze %dma_start3A_14 : memref<1x128xi32, #tpu.memory_space<vmem>> -> memref<128xi32, #tpu.memory_space<vmem>>
    %dma_start3A_16 = arith.constant 0 : i32
    %dma_start3A_17 = arith.constant 0 : i32
    %dma_start3A_18 = tpu.memref_slice %arg4[%dma_start3A_16, %dma_start3A_17] : memref<1000000x128xf32, #tpu.memory_space<hbm>> -> memref<1000000x128xf32, #tpu.memory_space<hbm>>
    tpu.enqueue_indirect_dma source(%dma_start3A_18 : memref<1000000x128xf32, #tpu.memory_space<hbm>>) target(%arg9 : memref<128x128xf32, #tpu.memory_space<vmem>>) offsets(%dma_start3A_15 : memref<128xi32, #tpu.memory_space<vmem>>) semaphore(%arg12 : memref<!tpu.dma_semaphore, #tpu.memory_space<semaphore_mem>>)
    %dma_wait3A = arith.constant 0 : i32
    %dma_wait3A_19 = arith.constant 0 : i32
    %dma_wait3A_20 = tpu.memref_slice %arg6[%dma_wait3A, %dma_wait3A_19] : memref<4x128xi32, #tpu.memory_space<vmem>> -> memref<1x128xi32, #tpu.memory_space<vmem>>
    %dma_wait3A_21 = tpu.memref_squeeze %dma_wait3A_20 : memref<1x128xi32, #tpu.memory_space<vmem>> -> memref<128xi32, #tpu.memory_space<vmem>>
    %dma_wait3A_22 = arith.constant 0 : i32
    %dma_wait3A_23 = arith.constant 0 : i32
    %dma_wait3A_24 = tpu.memref_slice %arg4[%dma_wait3A_22, %dma_wait3A_23] : memref<1000000x128xf32, #tpu.memory_space<hbm>> -> memref<1000000x128xf32, #tpu.memory_space<hbm>>
    tpu.wait_indirect_dma semaphore(%arg11 : memref<!tpu.dma_semaphore, #tpu.memory_space<semaphore_mem>>) src(%dma_wait3A_24 : memref<1000000x128xf32, #tpu.memory_space<hbm>>) dst(%arg8 : memref<128x128xf32, #tpu.memory_space<vmem>>)
    %dma_wait3A_25 = arith.constant 0 : i32
    %dma_wait3A_26 = arith.constant 0 : i32
    %dma_wait3A_27 = tpu.memref_slice %arg7[%dma_wait3A_25, %dma_wait3A_26] : memref<4x128xi32, #tpu.memory_space<vmem>> -> memref<1x128xi32, #tpu.memory_space<vmem>>
    %dma_wait3A_28 = tpu.memref_squeeze %dma_wait3A_27 : memref<1x128xi32, #tpu.memory_space<vmem>> -> memref<128xi32, #tpu.memory_space<vmem>>
    %dma_wait3A_29 = arith.constant 0 : i32
    %dma_wait3A_30 = arith.constant 0 : i32
    %dma_wait3A_31 = tpu.memref_slice %arg4[%dma_wait3A_29, %dma_wait3A_30] : memref<1000000x128xf32, #tpu.memory_space<hbm>> -> memref<1000000x128xf32, #tpu.memory_space<hbm>>
    tpu.wait_indirect_dma semaphore(%arg12 : memref<!tpu.dma_semaphore, #tpu.memory_space<semaphore_mem>>) src(%dma_wait3A_31 : memref<1000000x128xf32, #tpu.memory_space<hbm>>) dst(%arg9 : memref<128x128xf32, #tpu.memory_space<vmem>>)
    %scan3A = arith.constant 0 : i32
    %scan3A_32 = arith.constant 0 : i32
    %scan3A_33 = arith.constant 8 : i32
    %scan3A_34 = arith.addi %scan3A_32, %scan3A_33 : i32
    %scan3A_35 = arith.constant 1 : i32
    scf.for %scan3A_151 = %scan3A_32 to %scan3A_34 step %scan3A_35  : i32 {
      %iota3A = tpu.iota {dimensions = array<i32: 0>} : vector<16xi32>
      %mul3A_152 = arith.constant 16 : i32
      %mul3A_153 = arith.muli %scan3A_151, %mul3A_152 : i32
      %add3A_154 = vector.broadcast %mul3A_153 : i32 to vector<16xi32>
      %add3A_155 = arith.addi %iota3A, %add3A_154 : vector<16xi32>
      %broadcast_in_dim3A = arith.constant 0.000000e+00 : f32
      %broadcast_in_dim3A_156 = vector.broadcast %broadcast_in_dim3A : f32 to vector<16xf32>
      %scan3A_157 = arith.constant 0 : i32
      %scan3A_158 = arith.constant 8 : i32
      %scan3A_159 = arith.addi %scan3A_157, %scan3A_158 : i32
      %scan3A_160 = arith.constant 1 : i32
      %scan3A_161 = scf.for %scan3A_168 = %scan3A_157 to %scan3A_159 step %scan3A_160 iter_args(%scan3A_169 = %broadcast_in_dim3A_156) -> (vector<16xf32>)  : i32 {
        %mul3A_170 = arith.constant 8 : i32
        %mul3A_171 = arith.muli %scan3A_168, %mul3A_170 : i32
        %add3A_172 = arith.constant 0 : i32
        %add3A_173 = arith.addi %mul3A_171, %add3A_172 : i32
        %broadcast_in_dim3A_174 = arith.constant 0 : i32
        %broadcast_in_dim3A_175 = vector.broadcast %broadcast_in_dim3A_174 : i32 to vector<16xi32>
        %add3A_176 = vector.broadcast %add3A_173 : i32 to vector<16xi32>
        %add3A_177 = arith.addi %broadcast_in_dim3A_175, %add3A_176 : vector<16xi32>
        %gather3A = tpu.vector_load_idx %arg8[%add3A_155, %add3A_177] : memref<128x128xf32, #tpu.memory_space<vmem>>[vector<16xi32>, vector<16xi32>], vector<16xf32>,
        %add3A_178 = arith.constant 64 : i32
        %add3A_179 = vector.broadcast %add3A_178 : i32 to vector<16xi32>
        %add3A_180 = arith.addi %add3A_177, %add3A_179 : vector<16xi32>
        %gather3A_181 = tpu.vector_load_idx %arg9[%add3A_155, %add3A_180] : memref<128x128xf32, #tpu.memory_space<vmem>>[vector<16xi32>, vector<16xi32>], vector<16xf32>,
        %mul3A_182 = arith.mulf %gather3A, %gather3A_181 : vector<16xf32>
        %add3A_183 = arith.addf %scan3A_169, %mul3A_182 : vector<16xf32>
        %mul3A_184 = arith.constant 8 : i32
        %mul3A_185 = arith.muli %scan3A_168, %mul3A_184 : i32
        %add3A_186 = arith.constant 1 : i32
        %add3A_187 = arith.addi %mul3A_185, %add3A_186 : i32
        %broadcast_in_dim3A_188 = arith.constant 0 : i32
        %broadcast_in_dim3A_189 = vector.broadcast %broadcast_in_dim3A_188 : i32 to vector<16xi32>
        %add3A_190 = vector.broadcast %add3A_187 : i32 to vector<16xi32>
        %add3A_191 = arith.addi %broadcast_in_dim3A_189, %add3A_190 : vector<16xi32>
        %gather3A_192 = tpu.vector_load_idx %arg8[%add3A_155, %add3A_191] : memref<128x128xf32, #tpu.memory_space<vmem>>[vector<16xi32>, vector<16xi32>], vector<16xf32>,
        %add3A_193 = arith.constant 64 : i32
        %add3A_194 = vector.broadcast %add3A_193 : i32 to vector<16xi32>
        %add3A_195 = arith.addi %add3A_191, %add3A_194 : vector<16xi32>
        %gather3A_196 = tpu.vector_load_idx %arg9[%add3A_155, %add3A_195] : memref<128x128xf32, #tpu.memory_space<vmem>>[vector<16xi32>, vector<16xi32>], vector<16xf32>,
        %mul3A_197 = arith.mulf %gather3A_192, %gather3A_196 : vector<16xf32>
        %add3A_198 = arith.addf %add3A_183, %mul3A_197 : vector<16xf32>
        %mul3A_199 = arith.constant 8 : i32
        %mul3A_200 = arith.muli %scan3A_168, %mul3A_199 : i32
        %add3A_201 = arith.constant 2 : i32
        %add3A_202 = arith.addi %mul3A_200, %add3A_201 : i32
        %broadcast_in_dim3A_203 = arith.constant 0 : i32
        %broadcast_in_dim3A_204 = vector.broadcast %broadcast_in_dim3A_203 : i32 to vector<16xi32>
        %add3A_205 = vector.broadcast %add3A_202 : i32 to vector<16xi32>
        %add3A_206 = arith.addi %broadcast_in_dim3A_204, %add3A_205 : vector<16xi32>
        %gather3A_207 = tpu.vector_load_idx %arg8[%add3A_155, %add3A_206] : memref<128x128xf32, #tpu.memory_space<vmem>>[vector<16xi32>, vector<16xi32>], vector<16xf32>,
        %add3A_208 = arith.constant 64 : i32
        %add3A_209 = vector.broadcast %add3A_208 : i32 to vector<16xi32>
        %add3A_210 = arith.addi %add3A_206, %add3A_209 : vector<16xi32>
        %gather3A_211 = tpu.vector_load_idx %arg9[%add3A_155, %add3A_210] : memref<128x128xf32, #tpu.memory_space<vmem>>[vector<16xi32>, vector<16xi32>], vector<16xf32>,
        %mul3A_212 = arith.mulf %gather3A_207, %gather3A_211 : vector<16xf32>
        %add3A_213 = arith.addf %add3A_198, %mul3A_212 : vector<16xf32>
        %mul3A_214 = arith.constant 8 : i32
        %mul3A_215 = arith.muli %scan3A_168, %mul3A_214 : i32
        %add3A_216 = arith.constant 3 : i32
        %add3A_217 = arith.addi %mul3A_215, %add3A_216 : i32
        %broadcast_in_dim3A_218 = arith.constant 0 : i32
        %broadcast_in_dim3A_219 = vector.broadcast %broadcast_in_dim3A_218 : i32 to vector<16xi32>
        %add3A_220 = vector.broadcast %add3A_217 : i32 to vector<16xi32>
        %add3A_221 = arith.addi %broadcast_in_dim3A_219, %add3A_220 : vector<16xi32>
        %gather3A_222 = tpu.vector_load_idx %arg8[%add3A_155, %add3A_221] : memref<128x128xf32, #tpu.memory_space<vmem>>[vector<16xi32>, vector<16xi32>], vector<16xf32>,
        %add3A_223 = arith.constant 64 : i32
        %add3A_224 = vector.broadcast %add3A_223 : i32 to vector<16xi32>
        %add3A_225 = arith.addi %add3A_221, %add3A_224 : vector<16xi32>
        %gather3A_226 = tpu.vector_load_idx %arg9[%add3A_155, %add3A_225] : memref<128x128xf32, #tpu.memory_space<vmem>>[vector<16xi32>, vector<16xi32>], vector<16xf32>,
        %mul3A_227 = arith.mulf %gather3A_222, %gather3A_226 : vector<16xf32>
        %add3A_228 = arith.addf %add3A_213, %mul3A_227 : vector<16xf32>
        %mul3A_229 = arith.constant 8 : i32
        %mul3A_230 = arith.muli %scan3A_168, %mul3A_229 : i32
        %add3A_231 = arith.constant 4 : i32
        %add3A_232 = arith.addi %mul3A_230, %add3A_231 : i32
        %broadcast_in_dim3A_233 = arith.constant 0 : i32
        %broadcast_in_dim3A_234 = vector.broadcast %broadcast_in_dim3A_233 : i32 to vector<16xi32>
        %add3A_235 = vector.broadcast %add3A_232 : i32 to vector<16xi32>
        %add3A_236 = arith.addi %broadcast_in_dim3A_234, %add3A_235 : vector<16xi32>
        %gather3A_237 = tpu.vector_load_idx %arg8[%add3A_155, %add3A_236] : memref<128x128xf32, #tpu.memory_space<vmem>>[vector<16xi32>, vector<16xi32>], vector<16xf32>,
        %add3A_238 = arith.constant 64 : i32
        %add3A_239 = vector.broadcast %add3A_238 : i32 to vector<16xi32>
        %add3A_240 = arith.addi %add3A_236, %add3A_239 : vector<16xi32>
        %gather3A_241 = tpu.vector_load_idx %arg9[%add3A_155, %add3A_240] : memref<128x128xf32, #tpu.memory_space<vmem>>[vector<16xi32>, vector<16xi32>], vector<16xf32>,
        %mul3A_242 = arith.mulf %gather3A_237, %gather3A_241 : vector<16xf32>
        %add3A_243 = arith.addf %add3A_228, %mul3A_242 : vector<16xf32>
        %mul3A_244 = arith.constant 8 : i32
        %mul3A_245 = arith.muli %scan3A_168, %mul3A_244 : i32
        %add3A_246 = arith.constant 5 : i32
        %add3A_247 = arith.addi %mul3A_245, %add3A_246 : i32
        %broadcast_in_dim3A_248 = arith.constant 0 : i32
        %broadcast_in_dim3A_249 = vector.broadcast %broadcast_in_dim3A_248 : i32 to vector<16xi32>
        %add3A_250 = vector.broadcast %add3A_247 : i32 to vector<16xi32>
        %add3A_251 = arith.addi %broadcast_in_dim3A_249, %add3A_250 : vector<16xi32>
        %gather3A_252 = tpu.vector_load_idx %arg8[%add3A_155, %add3A_251] : memref<128x128xf32, #tpu.memory_space<vmem>>[vector<16xi32>, vector<16xi32>], vector<16xf32>,
        %add3A_253 = arith.constant 64 : i32
        %add3A_254 = vector.broadcast %add3A_253 : i32 to vector<16xi32>
        %add3A_255 = arith.addi %add3A_251, %add3A_254 : vector<16xi32>
        %gather3A_256 = tpu.vector_load_idx %arg9[%add3A_155, %add3A_255] : memref<128x128xf32, #tpu.memory_space<vmem>>[vector<16xi32>, vector<16xi32>], vector<16xf32>,
        %mul3A_257 = arith.mulf %gather3A_252, %gather3A_256 : vector<16xf32>
        %add3A_258 = arith.addf %add3A_243, %mul3A_257 : vector<16xf32>
        %mul3A_259 = arith.constant 8 : i32
        %mul3A_260 = arith.muli %scan3A_168, %mul3A_259 : i32
        %add3A_261 = arith.constant 6 : i32
        %add3A_262 = arith.addi %mul3A_260, %add3A_261 : i32
        %broadcast_in_dim3A_263 = arith.constant 0 : i32
        %broadcast_in_dim3A_264 = vector.broadcast %broadcast_in_dim3A_263 : i32 to vector<16xi32>
        %add3A_265 = vector.broadcast %add3A_262 : i32 to vector<16xi32>
        %add3A_266 = arith.addi %broadcast_in_dim3A_264, %add3A_265 : vector<16xi32>
        %gather3A_267 = tpu.vector_load_idx %arg8[%add3A_155, %add3A_266] : memref<128x128xf32, #tpu.memory_space<vmem>>[vector<16xi32>, vector<16xi32>], vector<16xf32>,
        %add3A_268 = arith.constant 64 : i32
        %add3A_269 = vector.broadcast %add3A_268 : i32 to vector<16xi32>
        %add3A_270 = arith.addi %add3A_266, %add3A_269 : vector<16xi32>
        %gather3A_271 = tpu.vector_load_idx %arg9[%add3A_155, %add3A_270] : memref<128x128xf32, #tpu.memory_space<vmem>>[vector<16xi32>, vector<16xi32>], vector<16xf32>,
        %mul3A_272 = arith.mulf %gather3A_267, %gather3A_271 : vector<16xf32>
        %add3A_273 = arith.addf %add3A_258, %mul3A_272 : vector<16xf32>
        %mul3A_274 = arith.constant 8 : i32
        %mul3A_275 = arith.muli %scan3A_168, %mul3A_274 : i32
        %add3A_276 = arith.constant 7 : i32
        %add3A_277 = arith.addi %mul3A_275, %add3A_276 : i32
        %broadcast_in_dim3A_278 = arith.constant 0 : i32
        %broadcast_in_dim3A_279 = vector.broadcast %broadcast_in_dim3A_278 : i32 to vector<16xi32>
        %add3A_280 = vector.broadcast %add3A_277 : i32 to vector<16xi32>
        %add3A_281 = arith.addi %broadcast_in_dim3A_279, %add3A_280 : vector<16xi32>
        %gather3A_282 = tpu.vector_load_idx %arg8[%add3A_155, %add3A_281] : memref<128x128xf32, #tpu.memory_space<vmem>>[vector<16xi32>, vector<16xi32>], vector<16xf32>,
        %add3A_283 = arith.constant 64 : i32
        %add3A_284 = vector.broadcast %add3A_283 : i32 to vector<16xi32>
        %add3A_285 = arith.addi %add3A_281, %add3A_284 : vector<16xi32>
        %gather3A_286 = tpu.vector_load_idx %arg9[%add3A_155, %add3A_285] : memref<128x128xf32, #tpu.memory_space<vmem>>[vector<16xi32>, vector<16xi32>], vector<16xf32>,
        %mul3A_287 = arith.mulf %gather3A_282, %gather3A_286 : vector<16xf32>
        %add3A_288 = arith.addf %add3A_273, %mul3A_287 : vector<16xf32>
        scf.yield %add3A_288 : vector<16xf32>
      }
      %scan3A_162 = arith.constant 8 : i32
      %mul3A_163 = arith.constant 16 : i32
      %mul3A_164 = arith.muli %scan3A_151, %mul3A_163 : i32
      %add3A_165 = arith.constant 0 : i32
      %add3A_166 = arith.addi %add3A_165, %mul3A_164 : i32
      %swap3A = arith.index_cast %add3A_166 : i32 to index
      %swap3A_167 = tpu.vector_load %arg10[%swap3A] {strides = array<i32>} : memref<512xf32, #tpu.memory_space<vmem>>, vector<16xf32>,
      tpu.vector_store %arg10[%swap3A], %scan3A_161 {strides = array<i32>} : memref<512xf32, #tpu.memory_space<vmem>>, vector<16xf32>,
    }
    %scan3A_36 = arith.constant 8 : i32
    %add3A_37 = arith.constant 128 : i32
    %add3A_38 = arith.addi %mul3A_2, %add3A_37 : i32
    %run_scoped3A_39 = arith.constant 1 : i32
    "tpu.region"() ({
      %run_scoped3A_151 = tpu.sem_alloc : memref<!tpu.dma_semaphore, #tpu.memory_space<semaphore_mem>>
      %dma_start3A_152 = arith.constant 0 : i32
      %dma_start3A_153 = tpu.memref_slice %arg6[%run_scoped3A_39, %dma_start3A_152] : memref<4x128xi32, #tpu.memory_space<vmem>> -> memref<1x128xi32, #tpu.memory_space<vmem>>
      %dma_start3A_154 = tpu.memref_squeeze %dma_start3A_153 : memref<1x128xi32, #tpu.memory_space<vmem>> -> memref<128xi32, #tpu.memory_space<vmem>>
      %dma_start3A_155 = tpu.memref_slice %arg2[%add3A_38] : memref<16384xi32, #tpu.memory_space<hbm>> -> memref<128xi32, #tpu.memory_space<hbm>>
      %dma_start3A_156 = arith.constant 0 : i32
      %dma_start3A_157 = tpu.memref_slice %arg6[%run_scoped3A_39, %dma_start3A_156] : memref<4x128xi32, #tpu.memory_space<vmem>> -> memref<1x128xi32, #tpu.memory_space<vmem>>
      %dma_start3A_158 = tpu.memref_squeeze %dma_start3A_157 : memref<1x128xi32, #tpu.memory_space<vmem>> -> memref<128xi32, #tpu.memory_space<vmem>>
      %dma_start3A_159 = tpu.memref_slice %arg2[%add3A_38] : memref<16384xi32, #tpu.memory_space<hbm>> -> memref<128xi32, #tpu.memory_space<hbm>>
      tpu.enqueue_dma source(%dma_start3A_159 : memref<128xi32, #tpu.memory_space<hbm>>) target(%dma_start3A_158 : memref<128xi32, #tpu.memory_space<vmem>>) target_semaphore(%run_scoped3A_151 : memref<!tpu.dma_semaphore, #tpu.memory_space<semaphore_mem>>)
      %dma_wait3A_160 = arith.constant 0 : i32
      %dma_wait3A_161 = tpu.memref_slice %arg6[%run_scoped3A_39, %dma_wait3A_160] : memref<4x128xi32, #tpu.memory_space<vmem>> -> memref<1x128xi32, #tpu.memory_space<vmem>>
      %dma_wait3A_162 = tpu.memref_squeeze %dma_wait3A_161 : memref<1x128xi32, #tpu.memory_space<vmem>> -> memref<128xi32, #tpu.memory_space<vmem>>
      %dma_wait3A_163 = tpu.memref_slice %arg2[%add3A_38] : memref<16384xi32, #tpu.memory_space<hbm>> -> memref<128xi32, #tpu.memory_space<hbm>>
      %dma_wait3A_164 = arith.constant 0 : i32
      %dma_wait3A_165 = tpu.memref_slice %arg6[%run_scoped3A_39, %dma_wait3A_164] : memref<4x128xi32, #tpu.memory_space<vmem>> -> memref<1x128xi32, #tpu.memory_space<vmem>>
      %dma_wait3A_166 = tpu.memref_squeeze %dma_wait3A_165 : memref<1x128xi32, #tpu.memory_space<vmem>> -> memref<128xi32, #tpu.memory_space<vmem>>
      %dma_wait3A_167 = tpu.memref_slice %arg2[%add3A_38] : memref<16384xi32, #tpu.memory_space<hbm>> -> memref<128xi32, #tpu.memory_space<hbm>>
      tpu.wait_dma2 semaphore(%run_scoped3A_151 : memref<!tpu.dma_semaphore, #tpu.memory_space<semaphore_mem>>) src(%dma_wait3A_167 : memref<128xi32, #tpu.memory_space<hbm>>) dst(%dma_wait3A_166 : memref<128xi32, #tpu.memory_space<vmem>>)
      tpu.yield
    }) : () -> ()
    %run_scoped3A_40 = arith.constant 1 : i32
    "tpu.region"() ({
      %run_scoped3A_151 = tpu.sem_alloc : memref<!tpu.dma_semaphore, #tpu.memory_space<semaphore_mem>>
      %dma_start3A_152 = arith.constant 0 : i32
      %dma_start3A_153 = tpu.memref_slice %arg7[%run_scoped3A_40, %dma_start3A_152] : memref<4x128xi32, #tpu.memory_space<vmem>> -> memref<1x128xi32, #tpu.memory_space<vmem>>
      %dma_start3A_154 = tpu.memref_squeeze %dma_start3A_153 : memref<1x128xi32, #tpu.memory_space<vmem>> -> memref<128xi32, #tpu.memory_space<vmem>>
      %dma_start3A_155 = tpu.memref_slice %arg3[%add3A_38] : memref<16384xi32, #tpu.memory_space<hbm>> -> memref<128xi32, #tpu.memory_space<hbm>>
      %dma_start3A_156 = arith.constant 0 : i32
      %dma_start3A_157 = tpu.memref_slice %arg7[%run_scoped3A_40, %dma_start3A_156] : memref<4x128xi32, #tpu.memory_space<vmem>> -> memref<1x128xi32, #tpu.memory_space<vmem>>
      %dma_start3A_158 = tpu.memref_squeeze %dma_start3A_157 : memref<1x128xi32, #tpu.memory_space<vmem>> -> memref<128xi32, #tpu.memory_space<vmem>>
      %dma_start3A_159 = tpu.memref_slice %arg3[%add3A_38] : memref<16384xi32, #tpu.memory_space<hbm>> -> memref<128xi32, #tpu.memory_space<hbm>>
      tpu.enqueue_dma source(%dma_start3A_159 : memref<128xi32, #tpu.memory_space<hbm>>) target(%dma_start3A_158 : memref<128xi32, #tpu.memory_space<vmem>>) target_semaphore(%run_scoped3A_151 : memref<!tpu.dma_semaphore, #tpu.memory_space<semaphore_mem>>)
      %dma_wait3A_160 = arith.constant 0 : i32
      %dma_wait3A_161 = tpu.memref_slice %arg7[%run_scoped3A_40, %dma_wait3A_160] : memref<4x128xi32, #tpu.memory_space<vmem>> -> memref<1x128xi32, #tpu.memory_space<vmem>>
      %dma_wait3A_162 = tpu.memref_squeeze %dma_wait3A_161 : memref<1x128xi32, #tpu.memory_space<vmem>> -> memref<128xi32, #tpu.memory_space<vmem>>
      %dma_wait3A_163 = tpu.memref_slice %arg3[%add3A_38] : memref<16384xi32, #tpu.memory_space<hbm>> -> memref<128xi32, #tpu.memory_space<hbm>>
      %dma_wait3A_164 = arith.constant 0 : i32
      %dma_wait3A_165 = tpu.memref_slice %arg7[%run_scoped3A_40, %dma_wait3A_164] : memref<4x128xi32, #tpu.memory_space<vmem>> -> memref<1x128xi32, #tpu.memory_space<vmem>>
      %dma_wait3A_166 = tpu.memref_squeeze %dma_wait3A_165 : memref<1x128xi32, #tpu.memory_space<vmem>> -> memref<128xi32, #tpu.memory_space<vmem>>
      %dma_wait3A_167 = tpu.memref_slice %arg3[%add3A_38] : memref<16384xi32, #tpu.memory_space<hbm>> -> memref<128xi32, #tpu.memory_space<hbm>>
      tpu.wait_dma2 semaphore(%run_scoped3A_151 : memref<!tpu.dma_semaphore, #tpu.memory_space<semaphore_mem>>) src(%dma_wait3A_167 : memref<128xi32, #tpu.memory_space<hbm>>) dst(%dma_wait3A_166 : memref<128xi32, #tpu.memory_space<vmem>>)
      tpu.yield
    }) : () -> ()
    %dma_start3A_41 = arith.constant 1 : i32
    %dma_start3A_42 = arith.constant 0 : i32
    %dma_start3A_43 = tpu.memref_slice %arg6[%dma_start3A_41, %dma_start3A_42] : memref<4x128xi32, #tpu.memory_space<vmem>> -> memref<1x128xi32, #tpu.memory_space<vmem>>
    %dma_start3A_44 = tpu.memref_squeeze %dma_start3A_43 : memref<1x128xi32, #tpu.memory_space<vmem>> -> memref<128xi32, #tpu.memory_space<vmem>>
    %dma_start3A_45 = arith.constant 0 : i32
    %dma_start3A_46 = arith.constant 0 : i32
    %dma_start3A_47 = tpu.memref_slice %arg4[%dma_start3A_45, %dma_start3A_46] : memref<1000000x128xf32, #tpu.memory_space<hbm>> -> memref<1000000x128xf32, #tpu.memory_space<hbm>>
    tpu.enqueue_indirect_dma source(%dma_start3A_47 : memref<1000000x128xf32, #tpu.memory_space<hbm>>) target(%arg8 : memref<128x128xf32, #tpu.memory_space<vmem>>) offsets(%dma_start3A_44 : memref<128xi32, #tpu.memory_space<vmem>>) semaphore(%arg11 : memref<!tpu.dma_semaphore, #tpu.memory_space<semaphore_mem>>)
    %dma_start3A_48 = arith.constant 1 : i32
    %dma_start3A_49 = arith.constant 0 : i32
    %dma_start3A_50 = tpu.memref_slice %arg7[%dma_start3A_48, %dma_start3A_49] : memref<4x128xi32, #tpu.memory_space<vmem>> -> memref<1x128xi32, #tpu.memory_space<vmem>>
    %dma_start3A_51 = tpu.memref_squeeze %dma_start3A_50 : memref<1x128xi32, #tpu.memory_space<vmem>> -> memref<128xi32, #tpu.memory_space<vmem>>
    %dma_start3A_52 = arith.constant 0 : i32
    %dma_start3A_53 = arith.constant 0 : i32
    %dma_start3A_54 = tpu.memref_slice %arg4[%dma_start3A_52, %dma_start3A_53] : memref<1000000x128xf32, #tpu.memory_space<hbm>> -> memref<1000000x128xf32, #tpu.memory_space<hbm>>
    tpu.enqueue_indirect_dma source(%dma_start3A_54 : memref<1000000x128xf32, #tpu.memory_space<hbm>>) target(%arg9 : memref<128x128xf32, #tpu.memory_space<vmem>>) offsets(%dma_start3A_51 : memref<128xi32, #tpu.memory_space<vmem>>) semaphore(%arg12 : memref<!tpu.dma_semaphore, #tpu.memory_space<semaphore_mem>>)
    %dma_wait3A_55 = arith.constant 1 : i32
    %dma_wait3A_56 = arith.constant 0 : i32
    %dma_wait3A_57 = tpu.memref_slice %arg6[%dma_wait3A_55, %dma_wait3A_56] : memref<4x128xi32, #tpu.memory_space<vmem>> -> memref<1x128xi32, #tpu.memory_space<vmem>>
    %dma_wait3A_58 = tpu.memref_squeeze %dma_wait3A_57 : memref<1x128xi32, #tpu.memory_space<vmem>> -> memref<128xi32, #tpu.memory_space<vmem>>
    %dma_wait3A_59 = arith.constant 0 : i32
    %dma_wait3A_60 = arith.constant 0 : i32
    %dma_wait3A_61 = tpu.memref_slice %arg4[%dma_wait3A_59, %dma_wait3A_60] : memref<1000000x128xf32, #tpu.memory_space<hbm>> -> memref<1000000x128xf32, #tpu.memory_space<hbm>>
    tpu.wait_indirect_dma semaphore(%arg11 : memref<!tpu.dma_semaphore, #tpu.memory_space<semaphore_mem>>) src(%dma_wait3A_61 : memref<1000000x128xf32, #tpu.memory_space<hbm>>) dst(%arg8 : memref<128x128xf32, #tpu.memory_space<vmem>>)
    %dma_wait3A_62 = arith.constant 1 : i32
    %dma_wait3A_63 = arith.constant 0 : i32
    %dma_wait3A_64 = tpu.memref_slice %arg7[%dma_wait3A_62, %dma_wait3A_63] : memref<4x128xi32, #tpu.memory_space<vmem>> -> memref<1x128xi32, #tpu.memory_space<vmem>>
    %dma_wait3A_65 = tpu.memref_squeeze %dma_wait3A_64 : memref<1x128xi32, #tpu.memory_space<vmem>> -> memref<128xi32, #tpu.memory_space<vmem>>
    %dma_wait3A_66 = arith.constant 0 : i32
    %dma_wait3A_67 = arith.constant 0 : i32
    %dma_wait3A_68 = tpu.memref_slice %arg4[%dma_wait3A_66, %dma_wait3A_67] : memref<1000000x128xf32, #tpu.memory_space<hbm>> -> memref<1000000x128xf32, #tpu.memory_space<hbm>>
    tpu.wait_indirect_dma semaphore(%arg12 : memref<!tpu.dma_semaphore, #tpu.memory_space<semaphore_mem>>) src(%dma_wait3A_68 : memref<1000000x128xf32, #tpu.memory_space<hbm>>) dst(%arg9 : memref<128x128xf32, #tpu.memory_space<vmem>>)
    %scan3A_69 = arith.constant 0 : i32
    %scan3A_70 = arith.constant 0 : i32
    %scan3A_71 = arith.constant 8 : i32
    %scan3A_72 = arith.addi %scan3A_70, %scan3A_71 : i32
    %scan3A_73 = arith.constant 1 : i32
    scf.for %scan3A_151 = %scan3A_70 to %scan3A_72 step %scan3A_73  : i32 {
      %iota3A = tpu.iota {dimensions = array<i32: 0>} : vector<16xi32>
      %mul3A_152 = arith.constant 16 : i32
      %mul3A_153 = arith.muli %scan3A_151, %mul3A_152 : i32
      %add3A_154 = vector.broadcast %mul3A_153 : i32 to vector<16xi32>
      %add3A_155 = arith.addi %iota3A, %add3A_154 : vector<16xi32>
      %broadcast_in_dim3A = arith.constant 0.000000e+00 : f32
      %broadcast_in_dim3A_156 = vector.broadcast %broadcast_in_dim3A : f32 to vector<16xf32>
      %scan3A_157 = arith.constant 0 : i32
      %scan3A_158 = arith.constant 8 : i32
      %scan3A_159 = arith.addi %scan3A_157, %scan3A_158 : i32
      %scan3A_160 = arith.constant 1 : i32
      %scan3A_161 = scf.for %scan3A_168 = %scan3A_157 to %scan3A_159 step %scan3A_160 iter_args(%scan3A_169 = %broadcast_in_dim3A_156) -> (vector<16xf32>)  : i32 {
        %mul3A_170 = arith.constant 8 : i32
        %mul3A_171 = arith.muli %scan3A_168, %mul3A_170 : i32
        %add3A_172 = arith.constant 0 : i32
        %add3A_173 = arith.addi %mul3A_171, %add3A_172 : i32
        %broadcast_in_dim3A_174 = arith.constant 0 : i32
        %broadcast_in_dim3A_175 = vector.broadcast %broadcast_in_dim3A_174 : i32 to vector<16xi32>
        %add3A_176 = vector.broadcast %add3A_173 : i32 to vector<16xi32>
        %add3A_177 = arith.addi %broadcast_in_dim3A_175, %add3A_176 : vector<16xi32>
        %gather3A = tpu.vector_load_idx %arg8[%add3A_155, %add3A_177] : memref<128x128xf32, #tpu.memory_space<vmem>>[vector<16xi32>, vector<16xi32>], vector<16xf32>,
        %add3A_178 = arith.constant 64 : i32
        %add3A_179 = vector.broadcast %add3A_178 : i32 to vector<16xi32>
        %add3A_180 = arith.addi %add3A_177, %add3A_179 : vector<16xi32>
        %gather3A_181 = tpu.vector_load_idx %arg9[%add3A_155, %add3A_180] : memref<128x128xf32, #tpu.memory_space<vmem>>[vector<16xi32>, vector<16xi32>], vector<16xf32>,
        %mul3A_182 = arith.mulf %gather3A, %gather3A_181 : vector<16xf32>
        %add3A_183 = arith.addf %scan3A_169, %mul3A_182 : vector<16xf32>
        %mul3A_184 = arith.constant 8 : i32
        %mul3A_185 = arith.muli %scan3A_168, %mul3A_184 : i32
        %add3A_186 = arith.constant 1 : i32
        %add3A_187 = arith.addi %mul3A_185, %add3A_186 : i32
        %broadcast_in_dim3A_188 = arith.constant 0 : i32
        %broadcast_in_dim3A_189 = vector.broadcast %broadcast_in_dim3A_188 : i32 to vector<16xi32>
        %add3A_190 = vector.broadcast %add3A_187 : i32 to vector<16xi32>
        %add3A_191 = arith.addi %broadcast_in_dim3A_189, %add3A_190 : vector<16xi32>
        %gather3A_192 = tpu.vector_load_idx %arg8[%add3A_155, %add3A_191] : memref<128x128xf32, #tpu.memory_space<vmem>>[vector<16xi32>, vector<16xi32>], vector<16xf32>,
        %add3A_193 = arith.constant 64 : i32
        %add3A_194 = vector.broadcast %add3A_193 : i32 to vector<16xi32>
        %add3A_195 = arith.addi %add3A_191, %add3A_194 : vector<16xi32>
        %gather3A_196 = tpu.vector_load_idx %arg9[%add3A_155, %add3A_195] : memref<128x128xf32, #tpu.memory_space<vmem>>[vector<16xi32>, vector<16xi32>], vector<16xf32>,
        %mul3A_197 = arith.mulf %gather3A_192, %gather3A_196 : vector<16xf32>
        %add3A_198 = arith.addf %add3A_183, %mul3A_197 : vector<16xf32>
        %mul3A_199 = arith.constant 8 : i32
        %mul3A_200 = arith.muli %scan3A_168, %mul3A_199 : i32
        %add3A_201 = arith.constant 2 : i32
        %add3A_202 = arith.addi %mul3A_200, %add3A_201 : i32
        %broadcast_in_dim3A_203 = arith.constant 0 : i32
        %broadcast_in_dim3A_204 = vector.broadcast %broadcast_in_dim3A_203 : i32 to vector<16xi32>
        %add3A_205 = vector.broadcast %add3A_202 : i32 to vector<16xi32>
        %add3A_206 = arith.addi %broadcast_in_dim3A_204, %add3A_205 : vector<16xi32>
        %gather3A_207 = tpu.vector_load_idx %arg8[%add3A_155, %add3A_206] : memref<128x128xf32, #tpu.memory_space<vmem>>[vector<16xi32>, vector<16xi32>], vector<16xf32>,
        %add3A_208 = arith.constant 64 : i32
        %add3A_209 = vector.broadcast %add3A_208 : i32 to vector<16xi32>
        %add3A_210 = arith.addi %add3A_206, %add3A_209 : vector<16xi32>
        %gather3A_211 = tpu.vector_load_idx %arg9[%add3A_155, %add3A_210] : memref<128x128xf32, #tpu.memory_space<vmem>>[vector<16xi32>, vector<16xi32>], vector<16xf32>,
        %mul3A_212 = arith.mulf %gather3A_207, %gather3A_211 : vector<16xf32>
        %add3A_213 = arith.addf %add3A_198, %mul3A_212 : vector<16xf32>
        %mul3A_214 = arith.constant 8 : i32
        %mul3A_215 = arith.muli %scan3A_168, %mul3A_214 : i32
        %add3A_216 = arith.constant 3 : i32
        %add3A_217 = arith.addi %mul3A_215, %add3A_216 : i32
        %broadcast_in_dim3A_218 = arith.constant 0 : i32
        %broadcast_in_dim3A_219 = vector.broadcast %broadcast_in_dim3A_218 : i32 to vector<16xi32>
        %add3A_220 = vector.broadcast %add3A_217 : i32 to vector<16xi32>
        %add3A_221 = arith.addi %broadcast_in_dim3A_219, %add3A_220 : vector<16xi32>
        %gather3A_222 = tpu.vector_load_idx %arg8[%add3A_155, %add3A_221] : memref<128x128xf32, #tpu.memory_space<vmem>>[vector<16xi32>, vector<16xi32>], vector<16xf32>,
        %add3A_223 = arith.constant 64 : i32
        %add3A_224 = vector.broadcast %add3A_223 : i32 to vector<16xi32>
        %add3A_225 = arith.addi %add3A_221, %add3A_224 : vector<16xi32>
        %gather3A_226 = tpu.vector_load_idx %arg9[%add3A_155, %add3A_225] : memref<128x128xf32, #tpu.memory_space<vmem>>[vector<16xi32>, vector<16xi32>], vector<16xf32>,
        %mul3A_227 = arith.mulf %gather3A_222, %gather3A_226 : vector<16xf32>
        %add3A_228 = arith.addf %add3A_213, %mul3A_227 : vector<16xf32>
        %mul3A_229 = arith.constant 8 : i32
        %mul3A_230 = arith.muli %scan3A_168, %mul3A_229 : i32
        %add3A_231 = arith.constant 4 : i32
        %add3A_232 = arith.addi %mul3A_230, %add3A_231 : i32
        %broadcast_in_dim3A_233 = arith.constant 0 : i32
        %broadcast_in_dim3A_234 = vector.broadcast %broadcast_in_dim3A_233 : i32 to vector<16xi32>
        %add3A_235 = vector.broadcast %add3A_232 : i32 to vector<16xi32>
        %add3A_236 = arith.addi %broadcast_in_dim3A_234, %add3A_235 : vector<16xi32>
        %gather3A_237 = tpu.vector_load_idx %arg8[%add3A_155, %add3A_236] : memref<128x128xf32, #tpu.memory_space<vmem>>[vector<16xi32>, vector<16xi32>], vector<16xf32>,
        %add3A_238 = arith.constant 64 : i32
        %add3A_239 = vector.broadcast %add3A_238 : i32 to vector<16xi32>
        %add3A_240 = arith.addi %add3A_236, %add3A_239 : vector<16xi32>
        %gather3A_241 = tpu.vector_load_idx %arg9[%add3A_155, %add3A_240] : memref<128x128xf32, #tpu.memory_space<vmem>>[vector<16xi32>, vector<16xi32>], vector<16xf32>,
        %mul3A_242 = arith.mulf %gather3A_237, %gather3A_241 : vector<16xf32>
        %add3A_243 = arith.addf %add3A_228, %mul3A_242 : vector<16xf32>
        %mul3A_244 = arith.constant 8 : i32
        %mul3A_245 = arith.muli %scan3A_168, %mul3A_244 : i32
        %add3A_246 = arith.constant 5 : i32
        %add3A_247 = arith.addi %mul3A_245, %add3A_246 : i32
        %broadcast_in_dim3A_248 = arith.constant 0 : i32
        %broadcast_in_dim3A_249 = vector.broadcast %broadcast_in_dim3A_248 : i32 to vector<16xi32>
        %add3A_250 = vector.broadcast %add3A_247 : i32 to vector<16xi32>
        %add3A_251 = arith.addi %broadcast_in_dim3A_249, %add3A_250 : vector<16xi32>
        %gather3A_252 = tpu.vector_load_idx %arg8[%add3A_155, %add3A_251] : memref<128x128xf32, #tpu.memory_space<vmem>>[vector<16xi32>, vector<16xi32>], vector<16xf32>,
        %add3A_253 = arith.constant 64 : i32
        %add3A_254 = vector.broadcast %add3A_253 : i32 to vector<16xi32>
        %add3A_255 = arith.addi %add3A_251, %add3A_254 : vector<16xi32>
        %gather3A_256 = tpu.vector_load_idx %arg9[%add3A_155, %add3A_255] : memref<128x128xf32, #tpu.memory_space<vmem>>[vector<16xi32>, vector<16xi32>], vector<16xf32>,
        %mul3A_257 = arith.mulf %gather3A_252, %gather3A_256 : vector<16xf32>
        %add3A_258 = arith.addf %add3A_243, %mul3A_257 : vector<16xf32>
        %mul3A_259 = arith.constant 8 : i32
        %mul3A_260 = arith.muli %scan3A_168, %mul3A_259 : i32
        %add3A_261 = arith.constant 6 : i32
        %add3A_262 = arith.addi %mul3A_260, %add3A_261 : i32
        %broadcast_in_dim3A_263 = arith.constant 0 : i32
        %broadcast_in_dim3A_264 = vector.broadcast %broadcast_in_dim3A_263 : i32 to vector<16xi32>
        %add3A_265 = vector.broadcast %add3A_262 : i32 to vector<16xi32>
        %add3A_266 = arith.addi %broadcast_in_dim3A_264, %add3A_265 : vector<16xi32>
        %gather3A_267 = tpu.vector_load_idx %arg8[%add3A_155, %add3A_266] : memref<128x128xf32, #tpu.memory_space<vmem>>[vector<16xi32>, vector<16xi32>], vector<16xf32>,
        %add3A_268 = arith.constant 64 : i32
        %add3A_269 = vector.broadcast %add3A_268 : i32 to vector<16xi32>
        %add3A_270 = arith.addi %add3A_266, %add3A_269 : vector<16xi32>
        %gather3A_271 = tpu.vector_load_idx %arg9[%add3A_155, %add3A_270] : memref<128x128xf32, #tpu.memory_space<vmem>>[vector<16xi32>, vector<16xi32>], vector<16xf32>,
        %mul3A_272 = arith.mulf %gather3A_267, %gather3A_271 : vector<16xf32>
        %add3A_273 = arith.addf %add3A_258, %mul3A_272 : vector<16xf32>
        %mul3A_274 = arith.constant 8 : i32
        %mul3A_275 = arith.muli %scan3A_168, %mul3A_274 : i32
        %add3A_276 = arith.constant 7 : i32
        %add3A_277 = arith.addi %mul3A_275, %add3A_276 : i32
        %broadcast_in_dim3A_278 = arith.constant 0 : i32
        %broadcast_in_dim3A_279 = vector.broadcast %broadcast_in_dim3A_278 : i32 to vector<16xi32>
        %add3A_280 = vector.broadcast %add3A_277 : i32 to vector<16xi32>
        %add3A_281 = arith.addi %broadcast_in_dim3A_279, %add3A_280 : vector<16xi32>
        %gather3A_282 = tpu.vector_load_idx %arg8[%add3A_155, %add3A_281] : memref<128x128xf32, #tpu.memory_space<vmem>>[vector<16xi32>, vector<16xi32>], vector<16xf32>,
        %add3A_283 = arith.constant 64 : i32
        %add3A_284 = vector.broadcast %add3A_283 : i32 to vector<16xi32>
        %add3A_285 = arith.addi %add3A_281, %add3A_284 : vector<16xi32>
        %gather3A_286 = tpu.vector_load_idx %arg9[%add3A_155, %add3A_285] : memref<128x128xf32, #tpu.memory_space<vmem>>[vector<16xi32>, vector<16xi32>], vector<16xf32>,
        %mul3A_287 = arith.mulf %gather3A_282, %gather3A_286 : vector<16xf32>
        %add3A_288 = arith.addf %add3A_273, %mul3A_287 : vector<16xf32>
        scf.yield %add3A_288 : vector<16xf32>
      }
      %scan3A_162 = arith.constant 8 : i32
      %mul3A_163 = arith.constant 16 : i32
      %mul3A_164 = arith.muli %scan3A_151, %mul3A_163 : i32
      %add3A_165 = arith.constant 128 : i32
      %add3A_166 = arith.addi %add3A_165, %mul3A_164 : i32
      %swap3A = arith.index_cast %add3A_166 : i32 to index
      %swap3A_167 = tpu.vector_load %arg10[%swap3A] {strides = array<i32>} : memref<512xf32, #tpu.memory_space<vmem>>, vector<16xf32>,
      tpu.vector_store %arg10[%swap3A], %scan3A_161 {strides = array<i32>} : memref<512xf32, #tpu.memory_space<vmem>>, vector<16xf32>,
    }
    %scan3A_74 = arith.constant 8 : i32
    %add3A_75 = arith.constant 256 : i32
    %add3A_76 = arith.addi %mul3A_2, %add3A_75 : i32
    %run_scoped3A_77 = arith.constant 2 : i32
    "tpu.region"() ({
      %run_scoped3A_151 = tpu.sem_alloc : memref<!tpu.dma_semaphore, #tpu.memory_space<semaphore_mem>>
      %dma_start3A_152 = arith.constant 0 : i32
      %dma_start3A_153 = tpu.memref_slice %arg6[%run_scoped3A_77, %dma_start3A_152] : memref<4x128xi32, #tpu.memory_space<vmem>> -> memref<1x128xi32, #tpu.memory_space<vmem>>
      %dma_start3A_154 = tpu.memref_squeeze %dma_start3A_153 : memref<1x128xi32, #tpu.memory_space<vmem>> -> memref<128xi32, #tpu.memory_space<vmem>>
      %dma_start3A_155 = tpu.memref_slice %arg2[%add3A_76] : memref<16384xi32, #tpu.memory_space<hbm>> -> memref<128xi32, #tpu.memory_space<hbm>>
      %dma_start3A_156 = arith.constant 0 : i32
      %dma_start3A_157 = tpu.memref_slice %arg6[%run_scoped3A_77, %dma_start3A_156] : memref<4x128xi32, #tpu.memory_space<vmem>> -> memref<1x128xi32, #tpu.memory_space<vmem>>
      %dma_start3A_158 = tpu.memref_squeeze %dma_start3A_157 : memref<1x128xi32, #tpu.memory_space<vmem>> -> memref<128xi32, #tpu.memory_space<vmem>>
      %dma_start3A_159 = tpu.memref_slice %arg2[%add3A_76] : memref<16384xi32, #tpu.memory_space<hbm>> -> memref<128xi32, #tpu.memory_space<hbm>>
      tpu.enqueue_dma source(%dma_start3A_159 : memref<128xi32, #tpu.memory_space<hbm>>) target(%dma_start3A_158 : memref<128xi32, #tpu.memory_space<vmem>>) target_semaphore(%run_scoped3A_151 : memref<!tpu.dma_semaphore, #tpu.memory_space<semaphore_mem>>)
      %dma_wait3A_160 = arith.constant 0 : i32
      %dma_wait3A_161 = tpu.memref_slice %arg6[%run_scoped3A_77, %dma_wait3A_160] : memref<4x128xi32, #tpu.memory_space<vmem>> -> memref<1x128xi32, #tpu.memory_space<vmem>>
      %dma_wait3A_162 = tpu.memref_squeeze %dma_wait3A_161 : memref<1x128xi32, #tpu.memory_space<vmem>> -> memref<128xi32, #tpu.memory_space<vmem>>
      %dma_wait3A_163 = tpu.memref_slice %arg2[%add3A_76] : memref<16384xi32, #tpu.memory_space<hbm>> -> memref<128xi32, #tpu.memory_space<hbm>>
      %dma_wait3A_164 = arith.constant 0 : i32
      %dma_wait3A_165 = tpu.memref_slice %arg6[%run_scoped3A_77, %dma_wait3A_164] : memref<4x128xi32, #tpu.memory_space<vmem>> -> memref<1x128xi32, #tpu.memory_space<vmem>>
      %dma_wait3A_166 = tpu.memref_squeeze %dma_wait3A_165 : memref<1x128xi32, #tpu.memory_space<vmem>> -> memref<128xi32, #tpu.memory_space<vmem>>
      %dma_wait3A_167 = tpu.memref_slice %arg2[%add3A_76] : memref<16384xi32, #tpu.memory_space<hbm>> -> memref<128xi32, #tpu.memory_space<hbm>>
      tpu.wait_dma2 semaphore(%run_scoped3A_151 : memref<!tpu.dma_semaphore, #tpu.memory_space<semaphore_mem>>) src(%dma_wait3A_167 : memref<128xi32, #tpu.memory_space<hbm>>) dst(%dma_wait3A_166 : memref<128xi32, #tpu.memory_space<vmem>>)
      tpu.yield
    }) : () -> ()
    %run_scoped3A_78 = arith.constant 2 : i32
    "tpu.region"() ({
      %run_scoped3A_151 = tpu.sem_alloc : memref<!tpu.dma_semaphore, #tpu.memory_space<semaphore_mem>>
      %dma_start3A_152 = arith.constant 0 : i32
      %dma_start3A_153 = tpu.memref_slice %arg7[%run_scoped3A_78, %dma_start3A_152] : memref<4x128xi32, #tpu.memory_space<vmem>> -> memref<1x128xi32, #tpu.memory_space<vmem>>
      %dma_start3A_154 = tpu.memref_squeeze %dma_start3A_153 : memref<1x128xi32, #tpu.memory_space<vmem>> -> memref<128xi32, #tpu.memory_space<vmem>>
      %dma_start3A_155 = tpu.memref_slice %arg3[%add3A_76] : memref<16384xi32, #tpu.memory_space<hbm>> -> memref<128xi32, #tpu.memory_space<hbm>>
      %dma_start3A_156 = arith.constant 0 : i32
      %dma_start3A_157 = tpu.memref_slice %arg7[%run_scoped3A_78, %dma_start3A_156] : memref<4x128xi32, #tpu.memory_space<vmem>> -> memref<1x128xi32, #tpu.memory_space<vmem>>
      %dma_start3A_158 = tpu.memref_squeeze %dma_start3A_157 : memref<1x128xi32, #tpu.memory_space<vmem>> -> memref<128xi32, #tpu.memory_space<vmem>>
      %dma_start3A_159 = tpu.memref_slice %arg3[%add3A_76] : memref<16384xi32, #tpu.memory_space<hbm>> -> memref<128xi32, #tpu.memory_space<hbm>>
      tpu.enqueue_dma source(%dma_start3A_159 : memref<128xi32, #tpu.memory_space<hbm>>) target(%dma_start3A_158 : memref<128xi32, #tpu.memory_space<vmem>>) target_semaphore(%run_scoped3A_151 : memref<!tpu.dma_semaphore, #tpu.memory_space<semaphore_mem>>)
      %dma_wait3A_160 = arith.constant 0 : i32
      %dma_wait3A_161 = tpu.memref_slice %arg7[%run_scoped3A_78, %dma_wait3A_160] : memref<4x128xi32, #tpu.memory_space<vmem>> -> memref<1x128xi32, #tpu.memory_space<vmem>>
      %dma_wait3A_162 = tpu.memref_squeeze %dma_wait3A_161 : memref<1x128xi32, #tpu.memory_space<vmem>> -> memref<128xi32, #tpu.memory_space<vmem>>
      %dma_wait3A_163 = tpu.memref_slice %arg3[%add3A_76] : memref<16384xi32, #tpu.memory_space<hbm>> -> memref<128xi32, #tpu.memory_space<hbm>>
      %dma_wait3A_164 = arith.constant 0 : i32
      %dma_wait3A_165 = tpu.memref_slice %arg7[%run_scoped3A_78, %dma_wait3A_164] : memref<4x128xi32, #tpu.memory_space<vmem>> -> memref<1x128xi32, #tpu.memory_space<vmem>>
      %dma_wait3A_166 = tpu.memref_squeeze %dma_wait3A_165 : memref<1x128xi32, #tpu.memory_space<vmem>> -> memref<128xi32, #tpu.memory_space<vmem>>
      %dma_wait3A_167 = tpu.memref_slice %arg3[%add3A_76] : memref<16384xi32, #tpu.memory_space<hbm>> -> memref<128xi32, #tpu.memory_space<hbm>>
      tpu.wait_dma2 semaphore(%run_scoped3A_151 : memref<!tpu.dma_semaphore, #tpu.memory_space<semaphore_mem>>) src(%dma_wait3A_167 : memref<128xi32, #tpu.memory_space<hbm>>) dst(%dma_wait3A_166 : memref<128xi32, #tpu.memory_space<vmem>>)
      tpu.yield
    }) : () -> ()
    %dma_start3A_79 = arith.constant 2 : i32
    %dma_start3A_80 = arith.constant 0 : i32
    %dma_start3A_81 = tpu.memref_slice %arg6[%dma_start3A_79, %dma_start3A_80] : memref<4x128xi32, #tpu.memory_space<vmem>> -> memref<1x128xi32, #tpu.memory_space<vmem>>
    %dma_start3A_82 = tpu.memref_squeeze %dma_start3A_81 : memref<1x128xi32, #tpu.memory_space<vmem>> -> memref<128xi32, #tpu.memory_space<vmem>>
    %dma_start3A_83 = arith.constant 0 : i32
    %dma_start3A_84 = arith.constant 0 : i32
    %dma_start3A_85 = tpu.memref_slice %arg4[%dma_start3A_83, %dma_start3A_84] : memref<1000000x128xf32, #tpu.memory_space<hbm>> -> memref<1000000x128xf32, #tpu.memory_space<hbm>>
    tpu.enqueue_indirect_dma source(%dma_start3A_85 : memref<1000000x128xf32, #tpu.memory_space<hbm>>) target(%arg8 : memref<128x128xf32, #tpu.memory_space<vmem>>) offsets(%dma_start3A_82 : memref<128xi32, #tpu.memory_space<vmem>>) semaphore(%arg11 : memref<!tpu.dma_semaphore, #tpu.memory_space<semaphore_mem>>)
    %dma_start3A_86 = arith.constant 2 : i32
    %dma_start3A_87 = arith.constant 0 : i32
    %dma_start3A_88 = tpu.memref_slice %arg7[%dma_start3A_86, %dma_start3A_87] : memref<4x128xi32, #tpu.memory_space<vmem>> -> memref<1x128xi32, #tpu.memory_space<vmem>>
    %dma_start3A_89 = tpu.memref_squeeze %dma_start3A_88 : memref<1x128xi32, #tpu.memory_space<vmem>> -> memref<128xi32, #tpu.memory_space<vmem>>
    %dma_start3A_90 = arith.constant 0 : i32
    %dma_start3A_91 = arith.constant 0 : i32
    %dma_start3A_92 = tpu.memref_slice %arg4[%dma_start3A_90, %dma_start3A_91] : memref<1000000x128xf32, #tpu.memory_space<hbm>> -> memref<1000000x128xf32, #tpu.memory_space<hbm>>
    tpu.enqueue_indirect_dma source(%dma_start3A_92 : memref<1000000x128xf32, #tpu.memory_space<hbm>>) target(%arg9 : memref<128x128xf32, #tpu.memory_space<vmem>>) offsets(%dma_start3A_89 : memref<128xi32, #tpu.memory_space<vmem>>) semaphore(%arg12 : memref<!tpu.dma_semaphore, #tpu.memory_space<semaphore_mem>>)
    %dma_wait3A_93 = arith.constant 2 : i32
    %dma_wait3A_94 = arith.constant 0 : i32
    %dma_wait3A_95 = tpu.memref_slice %arg6[%dma_wait3A_93, %dma_wait3A_94] : memref<4x128xi32, #tpu.memory_space<vmem>> -> memref<1x128xi32, #tpu.memory_space<vmem>>
    %dma_wait3A_96 = tpu.memref_squeeze %dma_wait3A_95 : memref<1x128xi32, #tpu.memory_space<vmem>> -> memref<128xi32, #tpu.memory_space<vmem>>
    %dma_wait3A_97 = arith.constant 0 : i32
    %dma_wait3A_98 = arith.constant 0 : i32
    %dma_wait3A_99 = tpu.memref_slice %arg4[%dma_wait3A_97, %dma_wait3A_98] : memref<1000000x128xf32, #tpu.memory_space<hbm>> -> memref<1000000x128xf32, #tpu.memory_space<hbm>>
    tpu.wait_indirect_dma semaphore(%arg11 : memref<!tpu.dma_semaphore, #tpu.memory_space<semaphore_mem>>) src(%dma_wait3A_99 : memref<1000000x128xf32, #tpu.memory_space<hbm>>) dst(%arg8 : memref<128x128xf32, #tpu.memory_space<vmem>>)
    %dma_wait3A_100 = arith.constant 2 : i32
    %dma_wait3A_101 = arith.constant 0 : i32
    %dma_wait3A_102 = tpu.memref_slice %arg7[%dma_wait3A_100, %dma_wait3A_101] : memref<4x128xi32, #tpu.memory_space<vmem>> -> memref<1x128xi32, #tpu.memory_space<vmem>>
    %dma_wait3A_103 = tpu.memref_squeeze %dma_wait3A_102 : memref<1x128xi32, #tpu.memory_space<vmem>> -> memref<128xi32, #tpu.memory_space<vmem>>
    %dma_wait3A_104 = arith.constant 0 : i32
    %dma_wait3A_105 = arith.constant 0 : i32
    %dma_wait3A_106 = tpu.memref_slice %arg4[%dma_wait3A_104, %dma_wait3A_105] : memref<1000000x128xf32, #tpu.memory_space<hbm>> -> memref<1000000x128xf32, #tpu.memory_space<hbm>>
    tpu.wait_indirect_dma semaphore(%arg12 : memref<!tpu.dma_semaphore, #tpu.memory_space<semaphore_mem>>) src(%dma_wait3A_106 : memref<1000000x128xf32, #tpu.memory_space<hbm>>) dst(%arg9 : memref<128x128xf32, #tpu.memory_space<vmem>>)
    %scan3A_107 = arith.constant 0 : i32
    %scan3A_108 = arith.constant 0 : i32
    %scan3A_109 = arith.constant 8 : i32
    %scan3A_110 = arith.addi %scan3A_108, %scan3A_109 : i32
    %scan3A_111 = arith.constant 1 : i32
    scf.for %scan3A_151 = %scan3A_108 to %scan3A_110 step %scan3A_111  : i32 {
      %iota3A = tpu.iota {dimensions = array<i32: 0>} : vector<16xi32>
      %mul3A_152 = arith.constant 16 : i32
      %mul3A_153 = arith.muli %scan3A_151, %mul3A_152 : i32
      %add3A_154 = vector.broadcast %mul3A_153 : i32 to vector<16xi32>
      %add3A_155 = arith.addi %iota3A, %add3A_154 : vector<16xi32>
      %broadcast_in_dim3A = arith.constant 0.000000e+00 : f32
      %broadcast_in_dim3A_156 = vector.broadcast %broadcast_in_dim3A : f32 to vector<16xf32>
      %scan3A_157 = arith.constant 0 : i32
      %scan3A_158 = arith.constant 8 : i32
      %scan3A_159 = arith.addi %scan3A_157, %scan3A_158 : i32
      %scan3A_160 = arith.constant 1 : i32
      %scan3A_161 = scf.for %scan3A_168 = %scan3A_157 to %scan3A_159 step %scan3A_160 iter_args(%scan3A_169 = %broadcast_in_dim3A_156) -> (vector<16xf32>)  : i32 {
        %mul3A_170 = arith.constant 8 : i32
        %mul3A_171 = arith.muli %scan3A_168, %mul3A_170 : i32
        %add3A_172 = arith.constant 0 : i32
        %add3A_173 = arith.addi %mul3A_171, %add3A_172 : i32
        %broadcast_in_dim3A_174 = arith.constant 0 : i32
        %broadcast_in_dim3A_175 = vector.broadcast %broadcast_in_dim3A_174 : i32 to vector<16xi32>
        %add3A_176 = vector.broadcast %add3A_173 : i32 to vector<16xi32>
        %add3A_177 = arith.addi %broadcast_in_dim3A_175, %add3A_176 : vector<16xi32>
        %gather3A = tpu.vector_load_idx %arg8[%add3A_155, %add3A_177] : memref<128x128xf32, #tpu.memory_space<vmem>>[vector<16xi32>, vector<16xi32>], vector<16xf32>,
        %add3A_178 = arith.constant 64 : i32
        %add3A_179 = vector.broadcast %add3A_178 : i32 to vector<16xi32>
        %add3A_180 = arith.addi %add3A_177, %add3A_179 : vector<16xi32>
        %gather3A_181 = tpu.vector_load_idx %arg9[%add3A_155, %add3A_180] : memref<128x128xf32, #tpu.memory_space<vmem>>[vector<16xi32>, vector<16xi32>], vector<16xf32>,
        %mul3A_182 = arith.mulf %gather3A, %gather3A_181 : vector<16xf32>
        %add3A_183 = arith.addf %scan3A_169, %mul3A_182 : vector<16xf32>
        %mul3A_184 = arith.constant 8 : i32
        %mul3A_185 = arith.muli %scan3A_168, %mul3A_184 : i32
        %add3A_186 = arith.constant 1 : i32
        %add3A_187 = arith.addi %mul3A_185, %add3A_186 : i32
        %broadcast_in_dim3A_188 = arith.constant 0 : i32
        %broadcast_in_dim3A_189 = vector.broadcast %broadcast_in_dim3A_188 : i32 to vector<16xi32>
        %add3A_190 = vector.broadcast %add3A_187 : i32 to vector<16xi32>
        %add3A_191 = arith.addi %broadcast_in_dim3A_189, %add3A_190 : vector<16xi32>
        %gather3A_192 = tpu.vector_load_idx %arg8[%add3A_155, %add3A_191] : memref<128x128xf32, #tpu.memory_space<vmem>>[vector<16xi32>, vector<16xi32>], vector<16xf32>,
        %add3A_193 = arith.constant 64 : i32
        %add3A_194 = vector.broadcast %add3A_193 : i32 to vector<16xi32>
        %add3A_195 = arith.addi %add3A_191, %add3A_194 : vector<16xi32>
        %gather3A_196 = tpu.vector_load_idx %arg9[%add3A_155, %add3A_195] : memref<128x128xf32, #tpu.memory_space<vmem>>[vector<16xi32>, vector<16xi32>], vector<16xf32>,
        %mul3A_197 = arith.mulf %gather3A_192, %gather3A_196 : vector<16xf32>
        %add3A_198 = arith.addf %add3A_183, %mul3A_197 : vector<16xf32>
        %mul3A_199 = arith.constant 8 : i32
        %mul3A_200 = arith.muli %scan3A_168, %mul3A_199 : i32
        %add3A_201 = arith.constant 2 : i32
        %add3A_202 = arith.addi %mul3A_200, %add3A_201 : i32
        %broadcast_in_dim3A_203 = arith.constant 0 : i32
        %broadcast_in_dim3A_204 = vector.broadcast %broadcast_in_dim3A_203 : i32 to vector<16xi32>
        %add3A_205 = vector.broadcast %add3A_202 : i32 to vector<16xi32>
        %add3A_206 = arith.addi %broadcast_in_dim3A_204, %add3A_205 : vector<16xi32>
        %gather3A_207 = tpu.vector_load_idx %arg8[%add3A_155, %add3A_206] : memref<128x128xf32, #tpu.memory_space<vmem>>[vector<16xi32>, vector<16xi32>], vector<16xf32>,
        %add3A_208 = arith.constant 64 : i32
        %add3A_209 = vector.broadcast %add3A_208 : i32 to vector<16xi32>
        %add3A_210 = arith.addi %add3A_206, %add3A_209 : vector<16xi32>
        %gather3A_211 = tpu.vector_load_idx %arg9[%add3A_155, %add3A_210] : memref<128x128xf32, #tpu.memory_space<vmem>>[vector<16xi32>, vector<16xi32>], vector<16xf32>,
        %mul3A_212 = arith.mulf %gather3A_207, %gather3A_211 : vector<16xf32>
        %add3A_213 = arith.addf %add3A_198, %mul3A_212 : vector<16xf32>
        %mul3A_214 = arith.constant 8 : i32
        %mul3A_215 = arith.muli %scan3A_168, %mul3A_214 : i32
        %add3A_216 = arith.constant 3 : i32
        %add3A_217 = arith.addi %mul3A_215, %add3A_216 : i32
        %broadcast_in_dim3A_218 = arith.constant 0 : i32
        %broadcast_in_dim3A_219 = vector.broadcast %broadcast_in_dim3A_218 : i32 to vector<16xi32>
        %add3A_220 = vector.broadcast %add3A_217 : i32 to vector<16xi32>
        %add3A_221 = arith.addi %broadcast_in_dim3A_219, %add3A_220 : vector<16xi32>
        %gather3A_222 = tpu.vector_load_idx %arg8[%add3A_155, %add3A_221] : memref<128x128xf32, #tpu.memory_space<vmem>>[vector<16xi32>, vector<16xi32>], vector<16xf32>,
        %add3A_223 = arith.constant 64 : i32
        %add3A_224 = vector.broadcast %add3A_223 : i32 to vector<16xi32>
        %add3A_225 = arith.addi %add3A_221, %add3A_224 : vector<16xi32>
        %gather3A_226 = tpu.vector_load_idx %arg9[%add3A_155, %add3A_225] : memref<128x128xf32, #tpu.memory_space<vmem>>[vector<16xi32>, vector<16xi32>], vector<16xf32>,
        %mul3A_227 = arith.mulf %gather3A_222, %gather3A_226 : vector<16xf32>
        %add3A_228 = arith.addf %add3A_213, %mul3A_227 : vector<16xf32>
        %mul3A_229 = arith.constant 8 : i32
        %mul3A_230 = arith.muli %scan3A_168, %mul3A_229 : i32
        %add3A_231 = arith.constant 4 : i32
        %add3A_232 = arith.addi %mul3A_230, %add3A_231 : i32
        %broadcast_in_dim3A_233 = arith.constant 0 : i32
        %broadcast_in_dim3A_234 = vector.broadcast %broadcast_in_dim3A_233 : i32 to vector<16xi32>
        %add3A_235 = vector.broadcast %add3A_232 : i32 to vector<16xi32>
        %add3A_236 = arith.addi %broadcast_in_dim3A_234, %add3A_235 : vector<16xi32>
        %gather3A_237 = tpu.vector_load_idx %arg8[%add3A_155, %add3A_236] : memref<128x128xf32, #tpu.memory_space<vmem>>[vector<16xi32>, vector<16xi32>], vector<16xf32>,
        %add3A_238 = arith.constant 64 : i32
        %add3A_239 = vector.broadcast %add3A_238 : i32 to vector<16xi32>
        %add3A_240 = arith.addi %add3A_236, %add3A_239 : vector<16xi32>
        %gather3A_241 = tpu.vector_load_idx %arg9[%add3A_155, %add3A_240] : memref<128x128xf32, #tpu.memory_space<vmem>>[vector<16xi32>, vector<16xi32>], vector<16xf32>,
        %mul3A_242 = arith.mulf %gather3A_237, %gather3A_241 : vector<16xf32>
        %add3A_243 = arith.addf %add3A_228, %mul3A_242 : vector<16xf32>
        %mul3A_244 = arith.constant 8 : i32
        %mul3A_245 = arith.muli %scan3A_168, %mul3A_244 : i32
        %add3A_246 = arith.constant 5 : i32
        %add3A_247 = arith.addi %mul3A_245, %add3A_246 : i32
        %broadcast_in_dim3A_248 = arith.constant 0 : i32
        %broadcast_in_dim3A_249 = vector.broadcast %broadcast_in_dim3A_248 : i32 to vector<16xi32>
        %add3A_250 = vector.broadcast %add3A_247 : i32 to vector<16xi32>
        %add3A_251 = arith.addi %broadcast_in_dim3A_249, %add3A_250 : vector<16xi32>
        %gather3A_252 = tpu.vector_load_idx %arg8[%add3A_155, %add3A_251] : memref<128x128xf32, #tpu.memory_space<vmem>>[vector<16xi32>, vector<16xi32>], vector<16xf32>,
        %add3A_253 = arith.constant 64 : i32
        %add3A_254 = vector.broadcast %add3A_253 : i32 to vector<16xi32>
        %add3A_255 = arith.addi %add3A_251, %add3A_254 : vector<16xi32>
        %gather3A_256 = tpu.vector_load_idx %arg9[%add3A_155, %add3A_255] : memref<128x128xf32, #tpu.memory_space<vmem>>[vector<16xi32>, vector<16xi32>], vector<16xf32>,
        %mul3A_257 = arith.mulf %gather3A_252, %gather3A_256 : vector<16xf32>
        %add3A_258 = arith.addf %add3A_243, %mul3A_257 : vector<16xf32>
        %mul3A_259 = arith.constant 8 : i32
        %mul3A_260 = arith.muli %scan3A_168, %mul3A_259 : i32
        %add3A_261 = arith.constant 6 : i32
        %add3A_262 = arith.addi %mul3A_260, %add3A_261 : i32
        %broadcast_in_dim3A_263 = arith.constant 0 : i32
        %broadcast_in_dim3A_264 = vector.broadcast %broadcast_in_dim3A_263 : i32 to vector<16xi32>
        %add3A_265 = vector.broadcast %add3A_262 : i32 to vector<16xi32>
        %add3A_266 = arith.addi %broadcast_in_dim3A_264, %add3A_265 : vector<16xi32>
        %gather3A_267 = tpu.vector_load_idx %arg8[%add3A_155, %add3A_266] : memref<128x128xf32, #tpu.memory_space<vmem>>[vector<16xi32>, vector<16xi32>], vector<16xf32>,
        %add3A_268 = arith.constant 64 : i32
        %add3A_269 = vector.broadcast %add3A_268 : i32 to vector<16xi32>
        %add3A_270 = arith.addi %add3A_266, %add3A_269 : vector<16xi32>
        %gather3A_271 = tpu.vector_load_idx %arg9[%add3A_155, %add3A_270] : memref<128x128xf32, #tpu.memory_space<vmem>>[vector<16xi32>, vector<16xi32>], vector<16xf32>,
        %mul3A_272 = arith.mulf %gather3A_267, %gather3A_271 : vector<16xf32>
        %add3A_273 = arith.addf %add3A_258, %mul3A_272 : vector<16xf32>
        %mul3A_274 = arith.constant 8 : i32
        %mul3A_275 = arith.muli %scan3A_168, %mul3A_274 : i32
        %add3A_276 = arith.constant 7 : i32
        %add3A_277 = arith.addi %mul3A_275, %add3A_276 : i32
        %broadcast_in_dim3A_278 = arith.constant 0 : i32
        %broadcast_in_dim3A_279 = vector.broadcast %broadcast_in_dim3A_278 : i32 to vector<16xi32>
        %add3A_280 = vector.broadcast %add3A_277 : i32 to vector<16xi32>
        %add3A_281 = arith.addi %broadcast_in_dim3A_279, %add3A_280 : vector<16xi32>
        %gather3A_282 = tpu.vector_load_idx %arg8[%add3A_155, %add3A_281] : memref<128x128xf32, #tpu.memory_space<vmem>>[vector<16xi32>, vector<16xi32>], vector<16xf32>,
        %add3A_283 = arith.constant 64 : i32
        %add3A_284 = vector.broadcast %add3A_283 : i32 to vector<16xi32>
        %add3A_285 = arith.addi %add3A_281, %add3A_284 : vector<16xi32>
        %gather3A_286 = tpu.vector_load_idx %arg9[%add3A_155, %add3A_285] : memref<128x128xf32, #tpu.memory_space<vmem>>[vector<16xi32>, vector<16xi32>], vector<16xf32>,
        %mul3A_287 = arith.mulf %gather3A_282, %gather3A_286 : vector<16xf32>
        %add3A_288 = arith.addf %add3A_273, %mul3A_287 : vector<16xf32>
        scf.yield %add3A_288 : vector<16xf32>
      }
      %scan3A_162 = arith.constant 8 : i32
      %mul3A_163 = arith.constant 16 : i32
      %mul3A_164 = arith.muli %scan3A_151, %mul3A_163 : i32
      %add3A_165 = arith.constant 256 : i32
      %add3A_166 = arith.addi %add3A_165, %mul3A_164 : i32
      %swap3A = arith.index_cast %add3A_166 : i32 to index
      %swap3A_167 = tpu.vector_load %arg10[%swap3A] {strides = array<i32>} : memref<512xf32, #tpu.memory_space<vmem>>, vector<16xf32>,
      tpu.vector_store %arg10[%swap3A], %scan3A_161 {strides = array<i32>} : memref<512xf32, #tpu.memory_space<vmem>>, vector<16xf32>,
    }
    %scan3A_112 = arith.constant 8 : i32
    %add3A_113 = arith.constant 384 : i32
    %add3A_114 = arith.addi %mul3A_2, %add3A_113 : i32
    %run_scoped3A_115 = arith.constant 3 : i32
    "tpu.region"() ({
      %run_scoped3A_151 = tpu.sem_alloc : memref<!tpu.dma_semaphore, #tpu.memory_space<semaphore_mem>>
      %dma_start3A_152 = arith.constant 0 : i32
      %dma_start3A_153 = tpu.memref_slice %arg6[%run_scoped3A_115, %dma_start3A_152] : memref<4x128xi32, #tpu.memory_space<vmem>> -> memref<1x128xi32, #tpu.memory_space<vmem>>
      %dma_start3A_154 = tpu.memref_squeeze %dma_start3A_153 : memref<1x128xi32, #tpu.memory_space<vmem>> -> memref<128xi32, #tpu.memory_space<vmem>>
      %dma_start3A_155 = tpu.memref_slice %arg2[%add3A_114] : memref<16384xi32, #tpu.memory_space<hbm>> -> memref<128xi32, #tpu.memory_space<hbm>>
      %dma_start3A_156 = arith.constant 0 : i32
      %dma_start3A_157 = tpu.memref_slice %arg6[%run_scoped3A_115, %dma_start3A_156] : memref<4x128xi32, #tpu.memory_space<vmem>> -> memref<1x128xi32, #tpu.memory_space<vmem>>
      %dma_start3A_158 = tpu.memref_squeeze %dma_start3A_157 : memref<1x128xi32, #tpu.memory_space<vmem>> -> memref<128xi32, #tpu.memory_space<vmem>>
      %dma_start3A_159 = tpu.memref_slice %arg2[%add3A_114] : memref<16384xi32, #tpu.memory_space<hbm>> -> memref<128xi32, #tpu.memory_space<hbm>>
      tpu.enqueue_dma source(%dma_start3A_159 : memref<128xi32, #tpu.memory_space<hbm>>) target(%dma_start3A_158 : memref<128xi32, #tpu.memory_space<vmem>>) target_semaphore(%run_scoped3A_151 : memref<!tpu.dma_semaphore, #tpu.memory_space<semaphore_mem>>)
      %dma_wait3A_160 = arith.constant 0 : i32
      %dma_wait3A_161 = tpu.memref_slice %arg6[%run_scoped3A_115, %dma_wait3A_160] : memref<4x128xi32, #tpu.memory_space<vmem>> -> memref<1x128xi32, #tpu.memory_space<vmem>>
      %dma_wait3A_162 = tpu.memref_squeeze %dma_wait3A_161 : memref<1x128xi32, #tpu.memory_space<vmem>> -> memref<128xi32, #tpu.memory_space<vmem>>
      %dma_wait3A_163 = tpu.memref_slice %arg2[%add3A_114] : memref<16384xi32, #tpu.memory_space<hbm>> -> memref<128xi32, #tpu.memory_space<hbm>>
      %dma_wait3A_164 = arith.constant 0 : i32
      %dma_wait3A_165 = tpu.memref_slice %arg6[%run_scoped3A_115, %dma_wait3A_164] : memref<4x128xi32, #tpu.memory_space<vmem>> -> memref<1x128xi32, #tpu.memory_space<vmem>>
      %dma_wait3A_166 = tpu.memref_squeeze %dma_wait3A_165 : memref<1x128xi32, #tpu.memory_space<vmem>> -> memref<128xi32, #tpu.memory_space<vmem>>
      %dma_wait3A_167 = tpu.memref_slice %arg2[%add3A_114] : memref<16384xi32, #tpu.memory_space<hbm>> -> memref<128xi32, #tpu.memory_space<hbm>>
      tpu.wait_dma2 semaphore(%run_scoped3A_151 : memref<!tpu.dma_semaphore, #tpu.memory_space<semaphore_mem>>) src(%dma_wait3A_167 : memref<128xi32, #tpu.memory_space<hbm>>) dst(%dma_wait3A_166 : memref<128xi32, #tpu.memory_space<vmem>>)
      tpu.yield
    }) : () -> ()
    %run_scoped3A_116 = arith.constant 3 : i32
    "tpu.region"() ({
      %run_scoped3A_151 = tpu.sem_alloc : memref<!tpu.dma_semaphore, #tpu.memory_space<semaphore_mem>>
      %dma_start3A_152 = arith.constant 0 : i32
      %dma_start3A_153 = tpu.memref_slice %arg7[%run_scoped3A_116, %dma_start3A_152] : memref<4x128xi32, #tpu.memory_space<vmem>> -> memref<1x128xi32, #tpu.memory_space<vmem>>
      %dma_start3A_154 = tpu.memref_squeeze %dma_start3A_153 : memref<1x128xi32, #tpu.memory_space<vmem>> -> memref<128xi32, #tpu.memory_space<vmem>>
      %dma_start3A_155 = tpu.memref_slice %arg3[%add3A_114] : memref<16384xi32, #tpu.memory_space<hbm>> -> memref<128xi32, #tpu.memory_space<hbm>>
      %dma_start3A_156 = arith.constant 0 : i32
      %dma_start3A_157 = tpu.memref_slice %arg7[%run_scoped3A_116, %dma_start3A_156] : memref<4x128xi32, #tpu.memory_space<vmem>> -> memref<1x128xi32, #tpu.memory_space<vmem>>
      %dma_start3A_158 = tpu.memref_squeeze %dma_start3A_157 : memref<1x128xi32, #tpu.memory_space<vmem>> -> memref<128xi32, #tpu.memory_space<vmem>>
      %dma_start3A_159 = tpu.memref_slice %arg3[%add3A_114] : memref<16384xi32, #tpu.memory_space<hbm>> -> memref<128xi32, #tpu.memory_space<hbm>>
      tpu.enqueue_dma source(%dma_start3A_159 : memref<128xi32, #tpu.memory_space<hbm>>) target(%dma_start3A_158 : memref<128xi32, #tpu.memory_space<vmem>>) target_semaphore(%run_scoped3A_151 : memref<!tpu.dma_semaphore, #tpu.memory_space<semaphore_mem>>)
      %dma_wait3A_160 = arith.constant 0 : i32
      %dma_wait3A_161 = tpu.memref_slice %arg7[%run_scoped3A_116, %dma_wait3A_160] : memref<4x128xi32, #tpu.memory_space<vmem>> -> memref<1x128xi32, #tpu.memory_space<vmem>>
      %dma_wait3A_162 = tpu.memref_squeeze %dma_wait3A_161 : memref<1x128xi32, #tpu.memory_space<vmem>> -> memref<128xi32, #tpu.memory_space<vmem>>
      %dma_wait3A_163 = tpu.memref_slice %arg3[%add3A_114] : memref<16384xi32, #tpu.memory_space<hbm>> -> memref<128xi32, #tpu.memory_space<hbm>>
      %dma_wait3A_164 = arith.constant 0 : i32
      %dma_wait3A_165 = tpu.memref_slice %arg7[%run_scoped3A_116, %dma_wait3A_164] : memref<4x128xi32, #tpu.memory_space<vmem>> -> memref<1x128xi32, #tpu.memory_space<vmem>>
      %dma_wait3A_166 = tpu.memref_squeeze %dma_wait3A_165 : memref<1x128xi32, #tpu.memory_space<vmem>> -> memref<128xi32, #tpu.memory_space<vmem>>
      %dma_wait3A_167 = tpu.memref_slice %arg3[%add3A_114] : memref<16384xi32, #tpu.memory_space<hbm>> -> memref<128xi32, #tpu.memory_space<hbm>>
      tpu.wait_dma2 semaphore(%run_scoped3A_151 : memref<!tpu.dma_semaphore, #tpu.memory_space<semaphore_mem>>) src(%dma_wait3A_167 : memref<128xi32, #tpu.memory_space<hbm>>) dst(%dma_wait3A_166 : memref<128xi32, #tpu.memory_space<vmem>>)
      tpu.yield
    }) : () -> ()
    %dma_start3A_117 = arith.constant 3 : i32
    %dma_start3A_118 = arith.constant 0 : i32
    %dma_start3A_119 = tpu.memref_slice %arg6[%dma_start3A_117, %dma_start3A_118] : memref<4x128xi32, #tpu.memory_space<vmem>> -> memref<1x128xi32, #tpu.memory_space<vmem>>
    %dma_start3A_120 = tpu.memref_squeeze %dma_start3A_119 : memref<1x128xi32, #tpu.memory_space<vmem>> -> memref<128xi32, #tpu.memory_space<vmem>>
    %dma_start3A_121 = arith.constant 0 : i32
    %dma_start3A_122 = arith.constant 0 : i32
    %dma_start3A_123 = tpu.memref_slice %arg4[%dma_start3A_121, %dma_start3A_122] : memref<1000000x128xf32, #tpu.memory_space<hbm>> -> memref<1000000x128xf32, #tpu.memory_space<hbm>>
    tpu.enqueue_indirect_dma source(%dma_start3A_123 : memref<1000000x128xf32, #tpu.memory_space<hbm>>) target(%arg8 : memref<128x128xf32, #tpu.memory_space<vmem>>) offsets(%dma_start3A_120 : memref<128xi32, #tpu.memory_space<vmem>>) semaphore(%arg11 : memref<!tpu.dma_semaphore, #tpu.memory_space<semaphore_mem>>)
    %dma_start3A_124 = arith.constant 3 : i32
    %dma_start3A_125 = arith.constant 0 : i32
    %dma_start3A_126 = tpu.memref_slice %arg7[%dma_start3A_124, %dma_start3A_125] : memref<4x128xi32, #tpu.memory_space<vmem>> -> memref<1x128xi32, #tpu.memory_space<vmem>>
    %dma_start3A_127 = tpu.memref_squeeze %dma_start3A_126 : memref<1x128xi32, #tpu.memory_space<vmem>> -> memref<128xi32, #tpu.memory_space<vmem>>
    %dma_start3A_128 = arith.constant 0 : i32
    %dma_start3A_129 = arith.constant 0 : i32
    %dma_start3A_130 = tpu.memref_slice %arg4[%dma_start3A_128, %dma_start3A_129] : memref<1000000x128xf32, #tpu.memory_space<hbm>> -> memref<1000000x128xf32, #tpu.memory_space<hbm>>
    tpu.enqueue_indirect_dma source(%dma_start3A_130 : memref<1000000x128xf32, #tpu.memory_space<hbm>>) target(%arg9 : memref<128x128xf32, #tpu.memory_space<vmem>>) offsets(%dma_start3A_127 : memref<128xi32, #tpu.memory_space<vmem>>) semaphore(%arg12 : memref<!tpu.dma_semaphore, #tpu.memory_space<semaphore_mem>>)
    %dma_wait3A_131 = arith.constant 3 : i32
    %dma_wait3A_132 = arith.constant 0 : i32
    %dma_wait3A_133 = tpu.memref_slice %arg6[%dma_wait3A_131, %dma_wait3A_132] : memref<4x128xi32, #tpu.memory_space<vmem>> -> memref<1x128xi32, #tpu.memory_space<vmem>>
    %dma_wait3A_134 = tpu.memref_squeeze %dma_wait3A_133 : memref<1x128xi32, #tpu.memory_space<vmem>> -> memref<128xi32, #tpu.memory_space<vmem>>
    %dma_wait3A_135 = arith.constant 0 : i32
    %dma_wait3A_136 = arith.constant 0 : i32
    %dma_wait3A_137 = tpu.memref_slice %arg4[%dma_wait3A_135, %dma_wait3A_136] : memref<1000000x128xf32, #tpu.memory_space<hbm>> -> memref<1000000x128xf32, #tpu.memory_space<hbm>>
    tpu.wait_indirect_dma semaphore(%arg11 : memref<!tpu.dma_semaphore, #tpu.memory_space<semaphore_mem>>) src(%dma_wait3A_137 : memref<1000000x128xf32, #tpu.memory_space<hbm>>) dst(%arg8 : memref<128x128xf32, #tpu.memory_space<vmem>>)
    %dma_wait3A_138 = arith.constant 3 : i32
    %dma_wait3A_139 = arith.constant 0 : i32
    %dma_wait3A_140 = tpu.memref_slice %arg7[%dma_wait3A_138, %dma_wait3A_139] : memref<4x128xi32, #tpu.memory_space<vmem>> -> memref<1x128xi32, #tpu.memory_space<vmem>>
    %dma_wait3A_141 = tpu.memref_squeeze %dma_wait3A_140 : memref<1x128xi32, #tpu.memory_space<vmem>> -> memref<128xi32, #tpu.memory_space<vmem>>
    %dma_wait3A_142 = arith.constant 0 : i32
    %dma_wait3A_143 = arith.constant 0 : i32
    %dma_wait3A_144 = tpu.memref_slice %arg4[%dma_wait3A_142, %dma_wait3A_143] : memref<1000000x128xf32, #tpu.memory_space<hbm>> -> memref<1000000x128xf32, #tpu.memory_space<hbm>>
    tpu.wait_indirect_dma semaphore(%arg12 : memref<!tpu.dma_semaphore, #tpu.memory_space<semaphore_mem>>) src(%dma_wait3A_144 : memref<1000000x128xf32, #tpu.memory_space<hbm>>) dst(%arg9 : memref<128x128xf32, #tpu.memory_space<vmem>>)
    %scan3A_145 = arith.constant 0 : i32
    %scan3A_146 = arith.constant 0 : i32
    %scan3A_147 = arith.constant 8 : i32
    %scan3A_148 = arith.addi %scan3A_146, %scan3A_147 : i32
    %scan3A_149 = arith.constant 1 : i32
    scf.for %scan3A_151 = %scan3A_146 to %scan3A_148 step %scan3A_149  : i32 {
      %iota3A = tpu.iota {dimensions = array<i32: 0>} : vector<16xi32>
      %mul3A_152 = arith.constant 16 : i32
      %mul3A_153 = arith.muli %scan3A_151, %mul3A_152 : i32
      %add3A_154 = vector.broadcast %mul3A_153 : i32 to vector<16xi32>
      %add3A_155 = arith.addi %iota3A, %add3A_154 : vector<16xi32>
      %broadcast_in_dim3A = arith.constant 0.000000e+00 : f32
      %broadcast_in_dim3A_156 = vector.broadcast %broadcast_in_dim3A : f32 to vector<16xf32>
      %scan3A_157 = arith.constant 0 : i32
      %scan3A_158 = arith.constant 8 : i32
      %scan3A_159 = arith.addi %scan3A_157, %scan3A_158 : i32
      %scan3A_160 = arith.constant 1 : i32
      %scan3A_161 = scf.for %scan3A_168 = %scan3A_157 to %scan3A_159 step %scan3A_160 iter_args(%scan3A_169 = %broadcast_in_dim3A_156) -> (vector<16xf32>)  : i32 {
        %mul3A_170 = arith.constant 8 : i32
        %mul3A_171 = arith.muli %scan3A_168, %mul3A_170 : i32
        %add3A_172 = arith.constant 0 : i32
        %add3A_173 = arith.addi %mul3A_171, %add3A_172 : i32
        %broadcast_in_dim3A_174 = arith.constant 0 : i32
        %broadcast_in_dim3A_175 = vector.broadcast %broadcast_in_dim3A_174 : i32 to vector<16xi32>
        %add3A_176 = vector.broadcast %add3A_173 : i32 to vector<16xi32>
        %add3A_177 = arith.addi %broadcast_in_dim3A_175, %add3A_176 : vector<16xi32>
        %gather3A = tpu.vector_load_idx %arg8[%add3A_155, %add3A_177] : memref<128x128xf32, #tpu.memory_space<vmem>>[vector<16xi32>, vector<16xi32>], vector<16xf32>,
        %add3A_178 = arith.constant 64 : i32
        %add3A_179 = vector.broadcast %add3A_178 : i32 to vector<16xi32>
        %add3A_180 = arith.addi %add3A_177, %add3A_179 : vector<16xi32>
        %gather3A_181 = tpu.vector_load_idx %arg9[%add3A_155, %add3A_180] : memref<128x128xf32, #tpu.memory_space<vmem>>[vector<16xi32>, vector<16xi32>], vector<16xf32>,
        %mul3A_182 = arith.mulf %gather3A, %gather3A_181 : vector<16xf32>
        %add3A_183 = arith.addf %scan3A_169, %mul3A_182 : vector<16xf32>
        %mul3A_184 = arith.constant 8 : i32
        %mul3A_185 = arith.muli %scan3A_168, %mul3A_184 : i32
        %add3A_186 = arith.constant 1 : i32
        %add3A_187 = arith.addi %mul3A_185, %add3A_186 : i32
        %broadcast_in_dim3A_188 = arith.constant 0 : i32
        %broadcast_in_dim3A_189 = vector.broadcast %broadcast_in_dim3A_188 : i32 to vector<16xi32>
        %add3A_190 = vector.broadcast %add3A_187 : i32 to vector<16xi32>
        %add3A_191 = arith.addi %broadcast_in_dim3A_189, %add3A_190 : vector<16xi32>
        %gather3A_192 = tpu.vector_load_idx %arg8[%add3A_155, %add3A_191] : memref<128x128xf32, #tpu.memory_space<vmem>>[vector<16xi32>, vector<16xi32>], vector<16xf32>,
        %add3A_193 = arith.constant 64 : i32
        %add3A_194 = vector.broadcast %add3A_193 : i32 to vector<16xi32>
        %add3A_195 = arith.addi %add3A_191, %add3A_194 : vector<16xi32>
        %gather3A_196 = tpu.vector_load_idx %arg9[%add3A_155, %add3A_195] : memref<128x128xf32, #tpu.memory_space<vmem>>[vector<16xi32>, vector<16xi32>], vector<16xf32>,
        %mul3A_197 = arith.mulf %gather3A_192, %gather3A_196 : vector<16xf32>
        %add3A_198 = arith.addf %add3A_183, %mul3A_197 : vector<16xf32>
        %mul3A_199 = arith.constant 8 : i32
        %mul3A_200 = arith.muli %scan3A_168, %mul3A_199 : i32
        %add3A_201 = arith.constant 2 : i32
        %add3A_202 = arith.addi %mul3A_200, %add3A_201 : i32
        %broadcast_in_dim3A_203 = arith.constant 0 : i32
        %broadcast_in_dim3A_204 = vector.broadcast %broadcast_in_dim3A_203 : i32 to vector<16xi32>
        %add3A_205 = vector.broadcast %add3A_202 : i32 to vector<16xi32>
        %add3A_206 = arith.addi %broadcast_in_dim3A_204, %add3A_205 : vector<16xi32>
        %gather3A_207 = tpu.vector_load_idx %arg8[%add3A_155, %add3A_206] : memref<128x128xf32, #tpu.memory_space<vmem>>[vector<16xi32>, vector<16xi32>], vector<16xf32>,
        %add3A_208 = arith.constant 64 : i32
        %add3A_209 = vector.broadcast %add3A_208 : i32 to vector<16xi32>
        %add3A_210 = arith.addi %add3A_206, %add3A_209 : vector<16xi32>
        %gather3A_211 = tpu.vector_load_idx %arg9[%add3A_155, %add3A_210] : memref<128x128xf32, #tpu.memory_space<vmem>>[vector<16xi32>, vector<16xi32>], vector<16xf32>,
        %mul3A_212 = arith.mulf %gather3A_207, %gather3A_211 : vector<16xf32>
        %add3A_213 = arith.addf %add3A_198, %mul3A_212 : vector<16xf32>
        %mul3A_214 = arith.constant 8 : i32
        %mul3A_215 = arith.muli %scan3A_168, %mul3A_214 : i32
        %add3A_216 = arith.constant 3 : i32
        %add3A_217 = arith.addi %mul3A_215, %add3A_216 : i32
        %broadcast_in_dim3A_218 = arith.constant 0 : i32
        %broadcast_in_dim3A_219 = vector.broadcast %broadcast_in_dim3A_218 : i32 to vector<16xi32>
        %add3A_220 = vector.broadcast %add3A_217 : i32 to vector<16xi32>
        %add3A_221 = arith.addi %broadcast_in_dim3A_219, %add3A_220 : vector<16xi32>
        %gather3A_222 = tpu.vector_load_idx %arg8[%add3A_155, %add3A_221] : memref<128x128xf32, #tpu.memory_space<vmem>>[vector<16xi32>, vector<16xi32>], vector<16xf32>,
        %add3A_223 = arith.constant 64 : i32
        %add3A_224 = vector.broadcast %add3A_223 : i32 to vector<16xi32>
        %add3A_225 = arith.addi %add3A_221, %add3A_224 : vector<16xi32>
        %gather3A_226 = tpu.vector_load_idx %arg9[%add3A_155, %add3A_225] : memref<128x128xf32, #tpu.memory_space<vmem>>[vector<16xi32>, vector<16xi32>], vector<16xf32>,
        %mul3A_227 = arith.mulf %gather3A_222, %gather3A_226 : vector<16xf32>
        %add3A_228 = arith.addf %add3A_213, %mul3A_227 : vector<16xf32>
        %mul3A_229 = arith.constant 8 : i32
        %mul3A_230 = arith.muli %scan3A_168, %mul3A_229 : i32
        %add3A_231 = arith.constant 4 : i32
        %add3A_232 = arith.addi %mul3A_230, %add3A_231 : i32
        %broadcast_in_dim3A_233 = arith.constant 0 : i32
        %broadcast_in_dim3A_234 = vector.broadcast %broadcast_in_dim3A_233 : i32 to vector<16xi32>
        %add3A_235 = vector.broadcast %add3A_232 : i32 to vector<16xi32>
        %add3A_236 = arith.addi %broadcast_in_dim3A_234, %add3A_235 : vector<16xi32>
        %gather3A_237 = tpu.vector_load_idx %arg8[%add3A_155, %add3A_236] : memref<128x128xf32, #tpu.memory_space<vmem>>[vector<16xi32>, vector<16xi32>], vector<16xf32>,
        %add3A_238 = arith.constant 64 : i32
        %add3A_239 = vector.broadcast %add3A_238 : i32 to vector<16xi32>
        %add3A_240 = arith.addi %add3A_236, %add3A_239 : vector<16xi32>
        %gather3A_241 = tpu.vector_load_idx %arg9[%add3A_155, %add3A_240] : memref<128x128xf32, #tpu.memory_space<vmem>>[vector<16xi32>, vector<16xi32>], vector<16xf32>,
        %mul3A_242 = arith.mulf %gather3A_237, %gather3A_241 : vector<16xf32>
        %add3A_243 = arith.addf %add3A_228, %mul3A_242 : vector<16xf32>
        %mul3A_244 = arith.constant 8 : i32
        %mul3A_245 = arith.muli %scan3A_168, %mul3A_244 : i32
        %add3A_246 = arith.constant 5 : i32
        %add3A_247 = arith.addi %mul3A_245, %add3A_246 : i32
        %broadcast_in_dim3A_248 = arith.constant 0 : i32
        %broadcast_in_dim3A_249 = vector.broadcast %broadcast_in_dim3A_248 : i32 to vector<16xi32>
        %add3A_250 = vector.broadcast %add3A_247 : i32 to vector<16xi32>
        %add3A_251 = arith.addi %broadcast_in_dim3A_249, %add3A_250 : vector<16xi32>
        %gather3A_252 = tpu.vector_load_idx %arg8[%add3A_155, %add3A_251] : memref<128x128xf32, #tpu.memory_space<vmem>>[vector<16xi32>, vector<16xi32>], vector<16xf32>,
        %add3A_253 = arith.constant 64 : i32
        %add3A_254 = vector.broadcast %add3A_253 : i32 to vector<16xi32>
        %add3A_255 = arith.addi %add3A_251, %add3A_254 : vector<16xi32>
        %gather3A_256 = tpu.vector_load_idx %arg9[%add3A_155, %add3A_255] : memref<128x128xf32, #tpu.memory_space<vmem>>[vector<16xi32>, vector<16xi32>], vector<16xf32>,
        %mul3A_257 = arith.mulf %gather3A_252, %gather3A_256 : vector<16xf32>
        %add3A_258 = arith.addf %add3A_243, %mul3A_257 : vector<16xf32>
        %mul3A_259 = arith.constant 8 : i32
        %mul3A_260 = arith.muli %scan3A_168, %mul3A_259 : i32
        %add3A_261 = arith.constant 6 : i32
        %add3A_262 = arith.addi %mul3A_260, %add3A_261 : i32
        %broadcast_in_dim3A_263 = arith.constant 0 : i32
        %broadcast_in_dim3A_264 = vector.broadcast %broadcast_in_dim3A_263 : i32 to vector<16xi32>
        %add3A_265 = vector.broadcast %add3A_262 : i32 to vector<16xi32>
        %add3A_266 = arith.addi %broadcast_in_dim3A_264, %add3A_265 : vector<16xi32>
        %gather3A_267 = tpu.vector_load_idx %arg8[%add3A_155, %add3A_266] : memref<128x128xf32, #tpu.memory_space<vmem>>[vector<16xi32>, vector<16xi32>], vector<16xf32>,
        %add3A_268 = arith.constant 64 : i32
        %add3A_269 = vector.broadcast %add3A_268 : i32 to vector<16xi32>
        %add3A_270 = arith.addi %add3A_266, %add3A_269 : vector<16xi32>
        %gather3A_271 = tpu.vector_load_idx %arg9[%add3A_155, %add3A_270] : memref<128x128xf32, #tpu.memory_space<vmem>>[vector<16xi32>, vector<16xi32>], vector<16xf32>,
        %mul3A_272 = arith.mulf %gather3A_267, %gather3A_271 : vector<16xf32>
        %add3A_273 = arith.addf %add3A_258, %mul3A_272 : vector<16xf32>
        %mul3A_274 = arith.constant 8 : i32
        %mul3A_275 = arith.muli %scan3A_168, %mul3A_274 : i32
        %add3A_276 = arith.constant 7 : i32
        %add3A_277 = arith.addi %mul3A_275, %add3A_276 : i32
        %broadcast_in_dim3A_278 = arith.constant 0 : i32
        %broadcast_in_dim3A_279 = vector.broadcast %broadcast_in_dim3A_278 : i32 to vector<16xi32>
        %add3A_280 = vector.broadcast %add3A_277 : i32 to vector<16xi32>
        %add3A_281 = arith.addi %broadcast_in_dim3A_279, %add3A_280 : vector<16xi32>
        %gather3A_282 = tpu.vector_load_idx %arg8[%add3A_155, %add3A_281] : memref<128x128xf32, #tpu.memory_space<vmem>>[vector<16xi32>, vector<16xi32>], vector<16xf32>,
        %add3A_283 = arith.constant 64 : i32
        %add3A_284 = vector.broadcast %add3A_283 : i32 to vector<16xi32>
        %add3A_285 = arith.addi %add3A_281, %add3A_284 : vector<16xi32>
        %gather3A_286 = tpu.vector_load_idx %arg9[%add3A_155, %add3A_285] : memref<128x128xf32, #tpu.memory_space<vmem>>[vector<16xi32>, vector<16xi32>], vector<16xf32>,
        %mul3A_287 = arith.mulf %gather3A_282, %gather3A_286 : vector<16xf32>
        %add3A_288 = arith.addf %add3A_273, %mul3A_287 : vector<16xf32>
        scf.yield %add3A_288 : vector<16xf32>
      }
      %scan3A_162 = arith.constant 8 : i32
      %mul3A_163 = arith.constant 16 : i32
      %mul3A_164 = arith.muli %scan3A_151, %mul3A_163 : i32
      %add3A_165 = arith.constant 384 : i32
      %add3A_166 = arith.addi %add3A_165, %mul3A_164 : i32
      %swap3A = arith.index_cast %add3A_166 : i32 to index
      %swap3A_167 = tpu.vector_load %arg10[%swap3A] {strides = array<i32>} : memref<512xf32, #tpu.memory_space<vmem>>, vector<16xf32>,
      tpu.vector_store %arg10[%swap3A], %scan3A_161 {strides = array<i32>} : memref<512xf32, #tpu.memory_space<vmem>>, vector<16xf32>,
    }
    %scan3A_150 = arith.constant 8 : i32
    "tpu.region"() ({
      %run_scoped3A_151 = tpu.sem_alloc : memref<!tpu.dma_semaphore, #tpu.memory_space<semaphore_mem>>
      %dma_start3A_152 = tpu.memref_slice %arg5[%mul3A_2] : memref<16384xf32, #tpu.memory_space<hbm>> -> memref<512xf32, #tpu.memory_space<hbm>>
      %dma_start3A_153 = tpu.memref_slice %arg5[%mul3A_2] : memref<16384xf32, #tpu.memory_space<hbm>> -> memref<512xf32, #tpu.memory_space<hbm>>
      tpu.enqueue_dma source(%arg10 : memref<512xf32, #tpu.memory_space<vmem>>) target(%dma_start3A_153 : memref<512xf32, #tpu.memory_space<hbm>>) target_semaphore(%run_scoped3A_151 : memref<!tpu.dma_semaphore, #tpu.memory_space<semaphore_mem>>)
      %dma_wait3A_154 = tpu.memref_slice %arg5[%mul3A_2] : memref<16384xf32, #tpu.memory_space<hbm>> -> memref<512xf32, #tpu.memory_space<hbm>>
      %dma_wait3A_155 = tpu.memref_slice %arg5[%mul3A_2] : memref<16384xf32, #tpu.memory_space<hbm>> -> memref<512xf32, #tpu.memory_space<hbm>>
      tpu.wait_dma2 semaphore(%run_scoped3A_151 : memref<!tpu.dma_semaphore, #tpu.memory_space<semaphore_mem>>) src(%arg10 : memref<512xf32, #tpu.memory_space<vmem>>) dst(%dma_wait3A_155 : memref<512xf32, #tpu.memory_space<hbm>>)
      tpu.yield
    }) : () -> ()
    return
  }
}

</mosaic_0001>

<sc_bundles>
// kernel: kernel.3.cloned.1.call-start
scs
__scs_entry_jumppad:
0x0: {  	(pc) =	sbr.rel $0x88, $3  }
0x1: {  	(tag) =	ssettag $0x0;
	lr =	simm.s32 $0x1  }
0x2: {  	[smem:$0x3F9D] =	sst lr;
	_ =	strace $0xD0000000  }
0x3: {  	_ = 	snop  }
0x4: {  	_ = 	snop  }
0x5: {  	_ = 	snop  }
0x6: {  	_ = 	snop  }
0x7: {  	_ = 	snop  }
__scs_overlays_trampoline_lowered:
0x8: {  	[smem:$0x3FAC] =	sst s0  }
0x9: {  	[smem:$0x3FAD] =	sst s1  }
0xa: {  	[smem:$0x3FAE] =	sst s2  }
0xb: {  	[smem:$0x3FAF] =	sst s3  }
0xc: {  	[smem:$0x3FB0] =	sst s4  }
0xd: {  	[smem:$0x3FB1] =	sst s5  }
0xe: {  	[smem:$0x3FB2] =	sst s6  }
0xf: {  	[smem:$0x3FB3] =	sst s7  }
0x10: {  	[smem:$0x3FB4] =	sst s8  }
0x11: {  	[smem:$0x3FB5] =	sst s9;
	s0 =	simm.s32 @!p0 $0x0  }
0x12: {  	s1 =	sld [smem:$0x3F9B];
	s0 =	simm.s32 @p0 $0x1  }
0x13: {  	[smem:$0x3FB6] =	sst s0;
	s0 =	simm.s32 @!p1 $0x0  }
0x14: {  	s2 =	sld [smem:$0x3F9A];
	s0 =	simm.s32 @p1 $0x1  }
0x15: {  	[smem:$0x3FB7] =	sst s0;
	s0 =	simm.s32 @!p2 $0x0  }
0x16: {  	s3 =	sld [smem:$0x3FDB];
	s0 =	simm.s32 @p2 $0x1  }
0x17: {  	s4 =	simm.s32 $0x1BF5;
	[smem:$0x3FB9] =	sst s0  }
0x18: {  	s0 =	sld [smem:$0x3F9C];
	_ =	swait.ge [sflag:s4], $0x0  }
0x19: {  	s7 =	sld [smem:$0x3F9D]  }
0x1a: {  	s8 =	sadd.s32 $0xFFFFE003, lr  }
0x1b: {  	s9 =	sadd.s32 $0xFFFFFEF7, lr;
	s5 =	simm.s32 $0xFFFFFFFF;
	p2 =	slt.u32 s8, $0xFFFFF086  }
0x1c: {  	p1 =	slt.u32 s9, $0xF7A;
	s5 =	simm.s32 @!p2 $0x0  }
0x1d: {  	s5 =	simm.s32 @p1 $0x1;
	p0 =	seq.s32 s7, s2  }
0x1e: {  	s7 =	smul.u32 @!p0 $0xF7A, s2;
	p2 =	seq.s32 @!p0 s5, $0x0  }
0x1f: {  	s9 =	smul.u32 $0xF7A, s1;
	s8 =	simm.s32 @!p0 $0x1BF5;
	p2 =	por !p2, p0  }
0x20: {  	[sflag:s8] =	ssyncset.s32 @!p0 $0xFFFFF086;
	s6 =	sadd.s32 @!p0 s3, s7;
	s7 =	simm.s32 @!p0 $0x108  }
0x21: {  	s3 =	sadd.s32 s3, s9;
	s6 =	sadd.s32 @!p0 $0x88, s6;
	s7 =	simm.s32 @p2 $0x1082  }
0x22: {  	[simem:s7], [sflag:s8] =	dma.local @!p0 [hbm:s6], $0xF7A  }
0x23: {  	s9 =	sor.u32 $0xD0000000, s2;
	s6 =	simm.s32 $0x108;
	_ =	swait.ge @!p0 [sflag:s8], $0x0  }
0x24: {  	s3 =	sadd.s32 $0x88, s3;
	s6 =	simm.s32 @!p1 $0x1082;
	[sflag:s4] =	ssyncset.s32 $0xFFFFF086  }
0x25: {  	[simem:s6], [sflag:s4] =	dma.local [hbm:s3], $0xF7A  }
0x26: {  	[smem:$0x3F9D] =	sst s1;
	(tag) =	ssettag s2;
	_ =	strace s9  }
0x27: {  	s1 =	sld [smem:$0x3FAD]  }
0x28: {  	s2 =	sld [smem:$0x3FAE]  }
0x29: {  	s4 =	sld [smem:$0x3FB0]  }
0x2a: {  	p0 =	seq.s32 s5, $0x0;
	s5 =	sld [smem:$0x3FB1]  }
0x2b: {  	s6 =	sld [smem:$0x3FB2]  }
0x2c: {  	s7 =	sld [smem:$0x3FB3]  }
0x2d: {  	s3 =	simm.s32 $0x108;
	s8 =	sld [smem:$0x3FB4]  }
0x2e: {  	s3 =	simm.s32 @!p0 $0x1082;
	s9 =	sld [smem:$0x3FB5]  }
0x2f: {  	lr =	sadd.s32 s0, s3;
	s0 =	sld [smem:$0x3FAC]  }
0x30: {  	s3 =	sld [smem:$0x3FAF]  }
0x31: {  	[smem:$0x3FB8] =	sst s10  }
0x32: {  	s10 =	sld [smem:$0x3FB6];
	_ =	sdelay $0x3  }
0x33: {  	p0 =	seq.s32 s10, $0x1;
	s10 =	sld [smem:$0x3FB8];
	_ =	sdelay $0x3  }
0x34: {  	[smem:$0x3FB8] =	sst s10  }
0x35: {  	s10 =	sld [smem:$0x3FB7];
	_ =	sdelay $0x3  }
0x36: {  	p1 =	seq.s32 s10, $0x1;
	s10 =	sld [smem:$0x3FB8];
	_ =	sdelay $0x3  }
0x37: {  	[smem:$0x3FB8] =	sst s10  }
0x38: {  	s10 =	sld [smem:$0x3FB9]  }
0x39: {  	_ = 	snop;
	(pc) =	sbr.ind lr, $3  }
0x3a: {  	_ = 	snop  }
0x3b: {  	_ = 	snop  }
0x3c: {  	p2 =	seq.s32 s10, $0x1;
	s10 =	sld [smem:$0x3FB8]  }
0x3d: {  	_ =	shalt  }
0x3e: {  	_ =	shalt  }
0x3f: {  	_ =	shalt  }
0x40: {  	_ =	shalt  }
0x41: {  	_ =	shalt  }
0x42: {  	_ =	shalt  }
0x43: {  	_ =	shalt  }
0x44: {  	_ =	shalt  }
0x45: {  	_ =	shalt  }
0x46: {  	_ =	shalt  }
0x47: {  	_ =	shalt  }
0x48: {  	_ =	shalt  }
0x49: {  	_ =	shalt  }
0x4a: {  	_ =	shalt  }
0x4b: {  	_ =	shalt  }
0x4c: {  	_ =	shalt  }
0x4d: {  	_ =	shalt  }
0x4e: {  	_ =	shalt  }
0x4f: {  	_ =	shalt  }
0x50: {  	_ =	shalt  }
0x51: {  	_ =	shalt  }
0x52: {  	_ =	shalt  }
0x53: {  	_ =	shalt  }
0x54: {  	_ =	shalt  }
0x55: {  	_ =	shalt  }
0x56: {  	_ =	shalt  }
0x57: {  	_ =	shalt  }
0x58: {  	_ =	shalt  }
0x59: {  	_ =	shalt  }
0x5a: {  	_ =	shalt  }
0x5b: {  	_ =	shalt  }
0x5c: {  	_ =	shalt  }
0x5d: {  	_ =	shalt  }
0x5e: {  	_ =	shalt  }
0x5f: {  	_ =	shalt  }
0x60: {  	_ =	shalt  }
0x61: {  	_ =	shalt  }
0x62: {  	_ =	shalt  }
0x63: {  	_ =	shalt  }
0x64: {  	_ =	shalt  }
0x65: {  	_ =	shalt  }
0x66: {  	_ =	shalt  }
0x67: {  	_ =	shalt  }
0x68: {  	_ =	shalt  }
0x69: {  	_ =	shalt  }
0x6a: {  	_ =	shalt  }
0x6b: {  	_ =	shalt  }
0x6c: {  	_ =	shalt  }
0x6d: {  	_ =	shalt  }
0x6e: {  	_ =	shalt  }
0x6f: {  	_ =	shalt  }
0x70: {  	_ =	shalt  }
0x71: {  	_ =	shalt  }
0x72: {  	_ =	shalt  }
0x73: {  	_ =	shalt  }
0x74: {  	_ =	shalt  }
0x75: {  	_ =	shalt  }
0x76: {  	_ =	shalt  }
0x77: {  	_ =	shalt  }
0x78: {  	_ =	shalt  }
0x79: {  	_ =	shalt  }
0x7a: {  	_ =	shalt  }
0x7b: {  	_ =	shalt  }
0x7c: {  	_ =	shalt  }
0x7d: {  	_ =	shalt  }
0x7e: {  	_ =	shalt  }
0x7f: {  	_ =	shalt  }
0x80: {  	_ =	shalt  }
0x81: {  	_ =	shalt  }
0x82: {  	_ =	shalt  }
0x83: {  	_ =	shalt  }
0x84: {  	_ =	shalt  }
0x85: {  	_ =	shalt  }
0x86: {  	_ =	shalt  }
0x87: {  	_ =	shalt  }
.Lfunc_end0:
.L_simem_size_0:
called_computation_lowered:
.L_overlay_start_0:
0x88: {  	s2 =	sld [smem:$0x3FD9]  }
0x89: {  	s3 =	sld [smem:$0x3FFE];
	_ =	sdelay $0x1  }
0x8a: {  	s1 =	srdreg.scid  }
0x8b: {  	s0 =	sand.u32 $0x1, s1  }
0x8c: {  	s17 =	sshll.u32 s0, $0xA;
	s2 =	sadd.s32 s3, s2  }
0x8d: {  	s2 =	sadd.s32 s2, s17  }
0x8e: {  	[smem:$0x3FC4] =	sst s2  }
0x8f: {  	_ = 	snop  }
0x90: {  	s2 =	sld [smem:$0x3FC9]  }
0x91: {  	s18 =	sld [smem:$0x3FC8]  }
0x92: {  	s4 =	sld [smem:$0x3FD0];
	(tm) =	ssettm $0x1  }
0x93: {  	s5 =	sld [smem:$0x3FFB];
	_ =	sdelay $0x3  }
0x94: {  	_ =	strace s5  }
0x95: {  	s5 =	sld [smem:$0x3FFC];
	_ =	sdelay $0x3  }
0x96: {  	_ =	strace s5  }
0x97: {  	s5 =	sld [smem:$0x3FFD];
	_ =	sdelay $0x3  }
0x98: {  	_ =	strace s5  }
0x99: {  	_ =	strace $0x8FFFFFFF  }
0x9a: {  	s19 =	sld [smem:$0x3FDB];
	_ =	sdelay $0x1  }
0x9b: {  	s6 =	simm.s32 $_scs_section_size  }
0x9c: {  	s7 =	simm.s32 $_size__tile_overlayer_lowered;
	s8 =	simm.s32 $_tile_overlayer_lowered  }
0x9d: {  	s22 =	simm.s32 $0x1BFF;
	s21 =	sshll.u32 s8, $0x1;
	s5 =	sadd.s32 s6, s19  }
0x9e: {  	s9 =	simm.s32 $0x0;
	s20 =	sshll.u32 s7, $0x1;
	s7 =	sadd.s32 s21, s5  }
0x9f: {  	[timem:s9], [sflag:s22] =	dma.local [hbm:s7], s20  }
0xa0: {  	_ =	swait.ge [sflag:s22], s20  }
0xa1: {  	s6 =	ssub.s32 $0x0, s20;
	[sflag:s22] =	ssyncset.done $0x0  }
0xa2: {  	[sflag:s22] =	ssyncadd.s32 s6;
	_ =	sdelay $0x1  }
0xa3: {  	s23 =	simm.s32 $0x1B8B  }
0xa4: {  	_ =	swait.ge [sflag:s23], $0x1  }
0xa5: {  	[sflag:s23] =	ssyncset.done $0x0  }
0xa6: {  	s25 =	simm.s32 $0x1B8E;
	s24 =	sld [smem:$0x3FFE];
	[sflag:s23] =	ssyncadd.s32 $0xFFFFFFFF  }
0xa7: {  	s26 =	simm.s32 $execute0_lowered;
	[smem:$0x3FD2] =	sst s25  }
0xa8: {  	s7 =	sshll.u32 s26, $0x1;
	_ =	strace $0x80000046;
	[dreg:$0x1] =	wrdreg $0xFFFFFFFF  }
0xa9: {  	s28 =	simm.s32 $_size_execute0_lowered;
	s5 =	sadd.s32 s5, s7;
	[dreg:$0x0] =	wrdreg $0x0  }
0xaa: {  	s7 =	sshll.u32 s28, $0x1;
	[dreg:$0x2] =	wrdreg s5  }
0xab: {  	[dreg:$0x3] =	wrdreg s7  }
0xac: {  	[dreg:$0x4] =	wrdreg $0xC0  }
0xad: {  	_ =	task [dreg:s9], $0x5FFFF  }
0xae: {  	[dreg:$0x1] =	wrdreg $0xFFFFFFFF  }
0xaf: {  	[dreg:$0x0] =	wrdreg $0x60  }
0xb0: {  	[dreg:$0x2] =	wrdreg s2  }
0xb1: {  	[dreg:$0x3] =	wrdreg s18  }
0xb2: {  	[dreg:$0x4] =	wrdreg s24  }
0xb3: {  	[dreg:$0x5] =	wrdreg s4  }
0xb4: {  	[dreg:$0x6] =	wrdreg $0x9  }
0xb5: {  	_ =	task.clear_ibuf [dreg:s9], $0x7FFFF;
	_ =	strace $0x90000046  }
0xb6: {  	s29 =	simm.s32 $0x9;
	_ =	strace $0x80000048  }
0xb7: {  	_ =	swait.ge [sflag:s29], $0x1  }
0xb8: {  	[sflag:s29] =	ssyncadd.s32 $0xFFFFFFFF  }
0xb9: {  	_ =	strace $0x90000048  }
0xba: {  	_ =	sfence  }
0xbb: {  	s30 =	sld [smem:$0x0];
	_ =	sdelay $0x2  }
0xbc: {  	s31 =	sshll.u32 s1, $0xD;
	s1 =	sshrl.u32 s1, $0x2  }
0xbd: {  	s3 =	sand.u32 $0x4000, s31;
	s1 =	sadd.s32 s1, s30  }
0xbe: {  	s0 =	sor.u32 s3, s0;
	s1 =	sshll.u32 s1, $0x11  }
0xbf: {  	s0 =	sor.u32 s1, s0  }
0xc0: {  	s0 =	sadd.s32 $0x8F2B, s0  }
0xc1: {  	[sflag:s0] =	ssyncadd.remote.s32 $0x1  }
0xc2: {  	_ =	sfence.sel $0xFFFF  }
0xc3: {  	[dreg:$0x0] =	wrdreg $0xFFFFFFFF;
	(pc) =	sbr.abs _section_cstart, $3  }
0xc4: {  	[dreg:$0x1] =	wrdreg $0xFFFFFFFF  }
0xc5: {  	_ =	task.clear_ibuf [dreg:s9], $0x2FFFF;
	_ =	strace $0x9FFFFFFF  }
0xc6: {  	(tm) =	ssettm $0x7FFFFFFF  }
0xc7: {  	_ =	shalt  }
tec
execute0_lowered:
.L_overlay_start_1:
0x0: {  	(tag) =	ssettag $0x1  }
0x1: {  	s0 =	rddreg [dreg:$0x0]  }
0x2: {  	s2 =	rddreg [dreg:$0x1]  }
0x3: {  	s3 =	rddreg [dreg:$0x2]  }
0x4: {  	s12 =	rddreg [dreg:$0x3];
	s1 =	simm.s32 $0x0  }
0x5: {  	s4 =	srdreg.scid;
	s7 =	stileid.u32;
	s15 =	simm.s32 $0x200  }
0x6: {  	s16 =	simm.s32 $0x80;
	s17 =	simm.s32 $0x400;
	s18 =	simm.s32 $0x4400  }
0x7: {  	s19 =	simm.s32 $0x1;
	s20 =	simm.s32 $0x2;
	s21 =	simm.s32 $0x280  }
0x8: {  	s22 =	simm.s32 $0x100;
	s23 =	simm.s32 $0x300;
	s24 =	simm.s32 $0x180  }
0x9: {  	s25 =	simm.s32 $0x380;
	s26 =	simm.s32 $0x8400;
	s28 =	simm.s32 $0x0  }
0xa: {  	[smem:$0x7FF] =	sst s1;
	s4 =	sand.u32 $0x1, s4;
	s7 =	sshll.u32 s7, $0x7  }
0xb: {  	s3 =	sadd.s32 $0x1E84C00, s3;
	s5 =	ssub.s32 $0x2, s4;
	s4 =	sshll.u32 s4, $0x6  }
0xc: {  	_ =	strace $0x80000047;
	s6 =	sshrl.u32 s5, $0x1;
	s14 =	sor.u32 s4, s7  }
0xd: {  	s13 =	ssub.s32 s5, s6;
	s4 =	sadd.s32 s0, s14;
	s5 =	sadd.s32 s2, s14  }
0xe: {  	s7 =	sor.u32 $0x10, s14;
	s9 =	sor.u32 $0x20, s14;
	s11 =	sor.u32 $0x30, s14  }
0xf: {  	s12 =	sadd.s32 s12, s14;
	s14 =	simm.s32 $0x3;
	s6 =	sadd.s32 s0, s7  }
0x10: {  	v0 =	vlaneseq.u32;
	s7 =	sadd.s32 s2, s7;
	s8 =	sadd.s32 s0, s9;
	s9 =	sadd.s32 s2, s9  }
0x11: {  	v0 =	vmul.u32 $0x80, v0;
	s10 =	sadd.s32 s0, s11;
	s11 =	sadd.s32 s2, s11;
	s13 =	smax.u32 s13, $0x1  }
.LBB2_1:
0x12: {  	[tilespmem:s1], [sflag:$0x3] =	stream.linear.gather [hbm4b:s4+s1], $0x80, $0x38;
	[tilespmem:$0x8600] =	vst v63  }
0x13: {  	_ =	swait.ge [sflag:s14], $0x80  }
0x14: {  	[sflag:s14] =	ssyncset.done $0x0  }
0x15: {  	[sflag:s14] =	ssyncadd.s32 $0xFFFFFF80  }
0x16: {  	[tilespmem:s15], [sflag:$0x3] =	stream.linear.gather [hbm4b:s5+s1], $0x80, $0x38;
	[tilespmem:$0x8600] =	vst v63  }
0x17: {  	_ =	swait.ge [sflag:s14], $0x80  }
0x18: {  	[sflag:s14] =	ssyncset.done $0x0  }
0x19: {  	[sflag:s14] =	ssyncadd.s32 $0xFFFFFF80  }
0x1a: {  	[tilespmem:s17], [sflag:$0x1] =	stream.indirect.gather [hbm4b:s3+s16], $0x80, s1, s16, $0xb8;
	[tilespmem:$0x8600] =	vst v63  }
0x1b: {  	_ = 	snop  }
0x1c: {  	[tilespmem:s18], [sflag:$0x2] =	stream.indirect.gather [hbm4b:s3+s16], $0x80, s15, s16, $0xb8;
	[tilespmem:$0x8600] =	vst v63  }
0x1d: {  	_ =	swait.ge [sflag:s19], $0x4000  }
0x1e: {  	[sflag:s19] =	ssyncset.done $0x0  }
0x1f: {  	[sflag:s19] =	ssyncadd.s32 $0xFFFFC000  }
0x20: {  	_ =	swait.ge [sflag:s20], $0x4000  }
0x21: {  	[sflag:s20] =	ssyncset.done $0x0  }
0x22: {  	s29 =	simm.s32 $0x0;
	[sflag:s20] =	ssyncadd.s32 $0xFFFFC000  }
.LBB2_2:
0x23: {  	s30 =	sshll.u32 s29, $0x4  }
0x24: {  	v1 =	vmov s30  }
0x25: {  	v1 =	vshll.u32 v1, $0x7  }
0x26: {  	s0 =	simm.s32 $0x0;
	v1 =	vor.u32 v0, v1  }
0x27: {  	s2 =	simm.s32 $0x1;
	v3 =	vor.u32 s0, v1  }
0x28: {  	v2 =	vor.u32 $0x40, v1;
	v5 =	vor.u32 s2, v1  }
0x29: {  	v4 =	vor.u32 s0, v2  }
0x2a: {  	v6 =	vor.u32 s2, v2;
	s2 =	simm.s32 $0x2  }
0x2b: {  	v7 =	vor.u32 s2, v1  }
0x2c: {  	v8 =	vor.u32 s2, v2;
	s2 =	simm.s32 $0x3;
	v3 =	vld.idx.msk [tilespmem:v3+s17+$0x0], $0xffff  }
0x2d: {  	v10 =	vor.u32 s2, v2;
	v5 =	vld.idx.msk [tilespmem:v5+s17+$0x0], $0xffff  }
0x2e: {  	v9 =	vld.idx.msk [tilespmem:v4+s18+$0x0], $0xffff;
	v4 =	vor.u32 s2, v1;
	s2 =	simm.s32 $0x4  }
0x2f: {  	v11 =	vld.idx.msk [tilespmem:v6+s18+$0x0], $0xffff;
	v12 =	vor.u32 s2, v1  }
0x30: {  	v15 =	vld.idx.msk [tilespmem:v7+s17+$0x0], $0xffff;
	v7 =	vor.u32 s2, v2;
	s2 =	simm.s32 $0x5  }
0x31: {  	v8 =	vld.idx.msk [tilespmem:v8+s18+$0x0], $0xffff;
	v14 =	vor.u32 s2, v1  }
0x32: {  	v16 =	vor.u32 s2, v2;
	v6 =	vld.idx.msk [tilespmem:v10+s18+$0x0], $0xffff;
	s2 =	simm.s32 $0x6  }
0x33: {  	v13 =	vor.u32 s2, v1;
	v4 =	vld.idx.msk [tilespmem:v4+s17+$0x0], $0xffff;
	v9 =	vmul.f32 v9, v3  }
0x34: {  	s31 =	simm.s32 $0x7;
	v10 =	vimm.f32 $0.0e+00;
	v3 =	vld.idx.msk [tilespmem:v12+s17+$0x0], $0xffff;
	v12 =	vor.u32 s2, v2  }
0x35: {  	v18 =	vmul.f32 v11, v5;
	v7 =	vld.idx.msk [tilespmem:v7+s18+$0x0], $0xffff;
	v17 =	vadd.f32 v9, v10;
	v10 =	vor.u32 s31, v1  }
0x36: {  	s2 =	simm.s32 $0x8;
	v5 =	vld.idx.msk [tilespmem:v14+s17+$0x0], $0xffff;
	v9 =	vor.u32 s31, v2  }
0x37: {  	s0 =	simm.s32 $0x17;
	v15 =	vmul.f32 v8, v15;
	s31 =	simm.s32 $0xF;
	v11 =	vor.u32 s2, v1;
	v8 =	vld.idx.msk [tilespmem:v16+s18+$0x0], $0xffff;
	v14 =	vadd.f32 v18, v17  }
.LBB2_3:
0x38: {  	p0 =	sne.s32 s0, $0x3F;
	v16 =	vor.u32 s2, v2;
	s2 =	sadd.s32 $0xFFFFFFFA, s31;
	v13 =	vld.idx.msk [tilespmem:v13+s17+$0x0], $0xffff  }
0x39: {  	v4 =	vmul.f32 v6, v4;
	v17 =	vor.u32 s2, v1;
	v14 =	vadd.f32 v15, v14;
	v6 =	vld.idx.msk [tilespmem:v12+s18+$0x0], $0xffff  }
0x3a: {  	v12 =	vor.u32 s2, v2;
	s2 =	sadd.s32 $0xFFFFFFFB, s31;
	v10 =	vld.idx.msk [tilespmem:v10+s17+$0x0], $0xffff  }
0x3b: {  	v15 =	vor.u32 s2, v1;
	v3 =	vmul.f32 v7, v3;
	v4 =	vadd.f32 v4, v14;
	v7 =	vld.idx.msk [tilespmem:v9+s18+$0x0], $0xffff  }
0x3c: {  	v9 =	vld.idx.msk [tilespmem:v11+s17+$0x0], $0xffff;
	v11 =	vor.u32 s2, v2;
	s2 =	sadd.s32 $0xFFFFFFFC, s31  }
0x3d: {  	v14 =	vld.idx.msk [tilespmem:v16+s18+$0x0], $0xffff;
	v16 =	vor.u32 s2, v1;
	v3 =	vadd.f32 v3, v4;
	v4 =	vmul.f32 v8, v5  }
0x3e: {  	v8 =	vor.u32 s2, v2;
	s2 =	sadd.s32 $0xFFFFFFFD, s31;
	v5 =	vld.idx.msk [tilespmem:v17+s17+$0x0], $0xffff  }
0x3f: {  	v17 =	vld.idx.msk [tilespmem:v12+s18+$0x0], $0xffff;
	v12 =	vor.u32 s2, v1;
	v3 =	vadd.f32 v4, v3;
	v4 =	vmul.f32 v6, v13  }
0x40: {  	v18 =	vor.u32 s2, v2;
	s2 =	sadd.s32 $0xFFFFFFFE, s31;
	v15 =	vld.idx.msk [tilespmem:v15+s17+$0x0], $0xffff  }
0x41: {  	v7 =	vmul.f32 v7, v10;
	v19 =	vld.idx.msk [tilespmem:v11+s18+$0x0], $0xffff;
	v11 =	vor.u32 s2, v1;
	v3 =	vadd.f32 v4, v3  }
0x42: {  	v4 =	vld.idx.msk [tilespmem:v16+s17+$0x0], $0xffff;
	v16 =	vor.u32 s2, v2;
	s2 =	sadd.s32 $0xFFFFFFFF, s31  }
.Ltmp0:
0x43: {  	v9 =	vmul.f32 v14, v9;
	v6 =	vld.idx.msk [tilespmem:v8+s18+$0x0], $0xffff;
	v13 =	vor.u32 s2, v1;
	v7 =	vadd.f32 v7, v3;
	(pc) =	sbr.rel @p0 .LBB2_3-.Ltmp0, $4  }
0x44: {  	v3 =	vld.idx.msk [tilespmem:v12+s17+$0x0], $0xffff;
	v12 =	vor.u32 s2, v2  }
0x45: {  	v10 =	vor.u32 s31, v1;
	v14 =	vmul.f32 v17, v5;
	v8 =	vadd.f32 v9, v7;
	v7 =	vld.idx.msk [tilespmem:v18+s18+$0x0], $0xffff  }
0x46: {  	s2 =	sadd.s32 $0xFFFFFFF9, s0;
	v9 =	vor.u32 s31, v2;
	s31 =	smov.u32 s0;
	v5 =	vld.idx.msk [tilespmem:v11+s17+$0x0], $0xffff  }
0x47: {  	s0 =	sadd.s32 $0x8, s0;
	v11 =	vor.u32 s2, v1;
	v15 =	vmul.f32 v19, v15;
	v14 =	vadd.f32 v14, v8;
	v8 =	vld.idx.msk [tilespmem:v16+s18+$0x0], $0xffff  }
0x48: {  	_ =	sdelay $0x3  }
0x49: {  	v16 =	vor.u32 s2, v2;
	s0 =	sadd.s32 $0xFFFFFFFA, s31;
	v13 =	vld.idx.msk [tilespmem:v13+s17+$0x0], $0xffff;
	v4 =	vmul.f32 v6, v4;
	v14 =	vadd.f32 v15, v14  }
0x4a: {  	v12 =	vld.idx.msk [tilespmem:v12+s18+$0x0], $0xffff;
	v36 =	vor.u32 s0, v1  }
0x4b: {  	s2 =	sadd.s32 $0xFFFFFFFB, s31;
	v10 =	vld.idx.msk [tilespmem:v10+s17+$0x0], $0xffff;
	v37 =	vor.u32 s0, v2;
	v3 =	vmul.f32 v7, v3;
	v4 =	vadd.f32 v4, v14  }
0x4c: {  	v9 =	vld.idx.msk [tilespmem:v9+s18+$0x0], $0xffff;
	v38 =	vor.u32 s2, v1  }
0x4d: {  	v11 =	vld.idx.msk [tilespmem:v11+s17+$0x0], $0xffff;
	v39 =	vor.u32 s2, v2;
	s2 =	sadd.s32 $0xFFFFFFFC, s31;
	v40 =	vmul.f32 v8, v5;
	v3 =	vadd.f32 v3, v4  }
0x4e: {  	v42 =	vor.u32 s2, v1;
	v41 =	vld.idx.msk [tilespmem:v16+s18+$0x0], $0xffff  }
0x4f: {  	v43 =	vor.u32 s2, v2;
	s2 =	sadd.s32 $0xFFFFFFFD, s31;
	v44 =	vmul.f32 v12, v13;
	v6 =	vld.idx.msk [tilespmem:v36+s17+$0x0], $0xffff;
	v3 =	vadd.f32 v40, v3  }
0x50: {  	v46 =	vor.u32 s2, v1;
	v45 =	vld.idx.msk [tilespmem:v37+s18+$0x0], $0xffff  }
0x51: {  	v47 =	vor.u32 s2, v2;
	s2 =	sadd.s32 $0xFFFFFFFE, s31;
	v48 =	vmul.f32 v9, v10;
	v7 =	vld.idx.msk [tilespmem:v38+s17+$0x0], $0xffff;
	v3 =	vadd.f32 v44, v3  }
0x52: {  	v50 =	vor.u32 s2, v1;
	v49 =	vld.idx.msk [tilespmem:v39+s18+$0x0], $0xffff  }
0x53: {  	v51 =	vor.u32 s2, v2;
	s2 =	sadd.s32 $0xFFFFFFFF, s31;
	v8 =	vld.idx.msk [tilespmem:v42+s17+$0x0], $0xffff;
	v5 =	vmul.f32 v41, v11;
	v3 =	vadd.f32 v48, v3  }
0x54: {  	v53 =	vor.u32 s2, v1;
	v52 =	vld.idx.msk [tilespmem:v43+s18+$0x0], $0xffff  }
0x55: {  	v54 =	vor.u32 s2, v2;
	v13 =	vld.idx.msk [tilespmem:v46+s17+$0x0], $0xffff;
	v55 =	vmul.f32 v45, v6;
	v3 =	vadd.f32 v5, v3  }
0x56: {  	v1 =	vor.u32 s31, v1;
	v56 =	vld.idx.msk [tilespmem:v47+s18+$0x0], $0xffff  }
0x57: {  	v2 =	vor.u32 s31, v2;
	v10 =	vld.idx.msk [tilespmem:v50+s17+$0x0], $0xffff;
	v57 =	vmul.f32 v49, v7;
	v3 =	vadd.f32 v55, v3  }
0x58: {  	v58 =	vld.idx.msk [tilespmem:v51+s18+$0x0], $0xffff  }
0x59: {  	v59 =	vld.idx.msk [tilespmem:v53+s17+$0x0], $0xffff;
	v4 =	vmul.f32 v52, v8;
	v3 =	vadd.f32 v57, v3  }
0x5a: {  	v60 =	vld.idx.msk [tilespmem:v54+s18+$0x0], $0xffff  }
0x5b: {  	v1 =	vld.idx.msk [tilespmem:v1+s17+$0x0], $0xffff;
	v61 =	vmul.f32 v56, v13;
	v3 =	vadd.f32 v4, v3  }
0x5c: {  	v2 =	vld.idx.msk [tilespmem:v2+s18+$0x0], $0xffff  }
0x5d: {  	v62 =	vmul.f32 v58, v10;
	v3 =	vadd.f32 v61, v3;
	_ =	sdelay $0x1  }
0x5e: {  	s29 =	sadd.s32 $0x1, s29;
	v63 =	vmul.f32 v60, v59;
	v3 =	vadd.f32 v62, v3  }
0x5f: {  	p0 =	sne.s32 s29, $0x8  }
.Ltmp1:
0x60: {  	v1 =	vmul.f32 v2, v1;
	v3 =	vadd.f32 v63, v3;
	(pc) =	sbr.rel @p0 .LBB2_2-.Ltmp1, $3  }
0x61: {  	_ = 	snop  }
0x62: {  	v1 =	vadd.f32 v1, v3;
	_ =	sdelay $0x1  }
0x63: {  	[tilespmem:s30+$0x8400] =	vst v1  }
0x64: {  	s29 =	simm.s32 $0x0  }
0x65: {  	[tilespmem:s16], [sflag:$0x3] =	stream.linear.gather [hbm4b:s6+s29], $0x80, $0x38;
	[tilespmem:$0x8600] =	vst v63  }
0x66: {  	_ =	swait.ge [sflag:s14], $0x80  }
0x67: {  	[sflag:s14] =	ssyncset.done $0x0  }
0x68: {  	[sflag:s14] =	ssyncadd.s32 $0xFFFFFF80  }
0x69: {  	[tilespmem:s21], [sflag:$0x3] =	stream.linear.gather [hbm4b:s7+s29], $0x80, $0x38;
	[tilespmem:$0x8600] =	vst v63  }
0x6a: {  	_ =	swait.ge [sflag:s14], $0x80  }
0x6b: {  	[sflag:s14] =	ssyncset.done $0x0  }
0x6c: {  	[sflag:s14] =	ssyncadd.s32 $0xFFFFFF80  }
0x6d: {  	[tilespmem:s17], [sflag:$0x1] =	stream.indirect.gather [hbm4b:s3+s16], $0x80, s16, s16, $0xb8;
	[tilespmem:$0x8600] =	vst v63  }
0x6e: {  	_ = 	snop  }
0x6f: {  	[tilespmem:s18], [sflag:$0x2] =	stream.indirect.gather [hbm4b:s3+s16], $0x80, s21, s16, $0xb8;
	[tilespmem:$0x8600] =	vst v63  }
0x70: {  	_ =	swait.ge [sflag:s19], $0x4000  }
0x71: {  	[sflag:s19] =	ssyncset.done $0x0  }
0x72: {  	[sflag:s19] =	ssyncadd.s32 $0xFFFFC000  }
0x73: {  	_ =	swait.ge [sflag:s20], $0x4000  }
0x74: {  	[sflag:s20] =	ssyncset.done $0x0  }
0x75: {  	[sflag:s20] =	ssyncadd.s32 $0xFFFFC000  }
.LBB2_6:
0x76: {  	s30 =	sshll.u32 s29, $0x4  }
0x77: {  	v1 =	vmov s30  }
0x78: {  	v1 =	vshll.u32 v1, $0x7  }
0x79: {  	s0 =	simm.s32 $0x0;
	v1 =	vor.u32 v0, v1  }
0x7a: {  	s2 =	simm.s32 $0x1;
	v3 =	vor.u32 s0, v1  }
0x7b: {  	v2 =	vor.u32 $0x40, v1;
	v5 =	vor.u32 s2, v1  }
0x7c: {  	v4 =	vor.u32 s0, v2  }
0x7d: {  	v6 =	vor.u32 s2, v2;
	s2 =	simm.s32 $0x2  }
0x7e: {  	v7 =	vor.u32 s2, v1  }
0x7f: {  	v8 =	vor.u32 s2, v2;
	s2 =	simm.s32 $0x3;
	v3 =	vld.idx.msk [tilespmem:v3+s17+$0x0], $0xffff  }
0x80: {  	v10 =	vor.u32 s2, v2;
	v5 =	vld.idx.msk [tilespmem:v5+s17+$0x0], $0xffff  }
0x81: {  	v9 =	vld.idx.msk [tilespmem:v4+s18+$0x0], $0xffff;
	v4 =	vor.u32 s2, v1;
	s2 =	simm.s32 $0x4  }
0x82: {  	v11 =	vld.idx.msk [tilespmem:v6+s18+$0x0], $0xffff;
	v12 =	vor.u32 s2, v1  }
0x83: {  	v15 =	vld.idx.msk [tilespmem:v7+s17+$0x0], $0xffff;
	v7 =	vor.u32 s2, v2;
	s2 =	simm.s32 $0x5  }
0x84: {  	v8 =	vld.idx.msk [tilespmem:v8+s18+$0x0], $0xffff;
	v14 =	vor.u32 s2, v1  }
0x85: {  	v16 =	vor.u32 s2, v2;
	v6 =	vld.idx.msk [tilespmem:v10+s18+$0x0], $0xffff;
	s2 =	simm.s32 $0x6  }
0x86: {  	v13 =	vor.u32 s2, v1;
	v4 =	vld.idx.msk [tilespmem:v4+s17+$0x0], $0xffff;
	v9 =	vmul.f32 v9, v3  }
0x87: {  	s31 =	simm.s32 $0x7;
	v10 =	vimm.f32 $0.0e+00;
	v3 =	vld.idx.msk [tilespmem:v12+s17+$0x0], $0xffff;
	v12 =	vor.u32 s2, v2  }
0x88: {  	v18 =	vmul.f32 v11, v5;
	v7 =	vld.idx.msk [tilespmem:v7+s18+$0x0], $0xffff;
	v17 =	vadd.f32 v9, v10;
	v10 =	vor.u32 s31, v1  }
0x89: {  	s2 =	simm.s32 $0x8;
	v5 =	vld.idx.msk [tilespmem:v14+s17+$0x0], $0xffff;
	v9 =	vor.u32 s31, v2  }
0x8a: {  	s0 =	simm.s32 $0x17;
	v15 =	vmul.f32 v8, v15;
	s31 =	simm.s32 $0xF;
	v11 =	vor.u32 s2, v1;
	v8 =	vld.idx.msk [tilespmem:v16+s18+$0x0], $0xffff;
	v14 =	vadd.f32 v18, v17  }
.LBB2_7:
0x8b: {  	p0 =	sne.s32 s0, $0x3F;
	v16 =	vor.u32 s2, v2;
	s2 =	sadd.s32 $0xFFFFFFFA, s31;
	v13 =	vld.idx.msk [tilespmem:v13+s17+$0x0], $0xffff  }
0x8c: {  	v4 =	vmul.f32 v6, v4;
	v17 =	vor.u32 s2, v1;
	v14 =	vadd.f32 v15, v14;
	v6 =	vld.idx.msk [tilespmem:v12+s18+$0x0], $0xffff  }
0x8d: {  	v12 =	vor.u32 s2, v2;
	s2 =	sadd.s32 $0xFFFFFFFB, s31;
	v10 =	vld.idx.msk [tilespmem:v10+s17+$0x0], $0xffff  }
0x8e: {  	v15 =	vor.u32 s2, v1;
	v3 =	vmul.f32 v7, v3;
	v4 =	vadd.f32 v4, v14;
	v7 =	vld.idx.msk [tilespmem:v9+s18+$0x0], $0xffff  }
0x8f: {  	v9 =	vld.idx.msk [tilespmem:v11+s17+$0x0], $0xffff;
	v11 =	vor.u32 s2, v2;
	s2 =	sadd.s32 $0xFFFFFFFC, s31  }
0x90: {  	v14 =	vld.idx.msk [tilespmem:v16+s18+$0x0], $0xffff;
	v16 =	vor.u32 s2, v1;
	v3 =	vadd.f32 v3, v4;
	v4 =	vmul.f32 v8, v5  }
0x91: {  	v8 =	vor.u32 s2, v2;
	s2 =	sadd.s32 $0xFFFFFFFD, s31;
	v5 =	vld.idx.msk [tilespmem:v17+s17+$0x0], $0xffff  }
0x92: {  	v17 =	vld.idx.msk [tilespmem:v12+s18+$0x0], $0xffff;
	v12 =	vor.u32 s2, v1;
	v3 =	vadd.f32 v4, v3;
	v4 =	vmul.f32 v6, v13  }
0x93: {  	v18 =	vor.u32 s2, v2;
	s2 =	sadd.s32 $0xFFFFFFFE, s31;
	v15 =	vld.idx.msk [tilespmem:v15+s17+$0x0], $0xffff  }
0x94: {  	v7 =	vmul.f32 v7, v10;
	v19 =	vld.idx.msk [tilespmem:v11+s18+$0x0], $0xffff;
	v11 =	vor.u32 s2, v1;
	v3 =	vadd.f32 v4, v3  }
0x95: {  	v4 =	vld.idx.msk [tilespmem:v16+s17+$0x0], $0xffff;
	v16 =	vor.u32 s2, v2;
	s2 =	sadd.s32 $0xFFFFFFFF, s31  }
.Ltmp2:
0x96: {  	v9 =	vmul.f32 v14, v9;
	v6 =	vld.idx.msk [tilespmem:v8+s18+$0x0], $0xffff;
	v13 =	vor.u32 s2, v1;
	v7 =	vadd.f32 v7, v3;
	(pc) =	sbr.rel @p0 .LBB2_7-.Ltmp2, $4  }
0x97: {  	v3 =	vld.idx.msk [tilespmem:v12+s17+$0x0], $0xffff;
	v12 =	vor.u32 s2, v2  }
0x98: {  	v10 =	vor.u32 s31, v1;
	v14 =	vmul.f32 v17, v5;
	v8 =	vadd.f32 v9, v7;
	v7 =	vld.idx.msk [tilespmem:v18+s18+$0x0], $0xffff  }
0x99: {  	s2 =	sadd.s32 $0xFFFFFFF9, s0;
	v9 =	vor.u32 s31, v2;
	s31 =	smov.u32 s0;
	v5 =	vld.idx.msk [tilespmem:v11+s17+$0x0], $0xffff  }
0x9a: {  	s0 =	sadd.s32 $0x8, s0;
	v11 =	vor.u32 s2, v1;
	v15 =	vmul.f32 v19, v15;
	v14 =	vadd.f32 v14, v8;
	v8 =	vld.idx.msk [tilespmem:v16+s18+$0x0], $0xffff  }
0x9b: {  	_ =	sdelay $0x3  }
0x9c: {  	v16 =	vor.u32 s2, v2;
	s0 =	sadd.s32 $0xFFFFFFFA, s31;
	v13 =	vld.idx.msk [tilespmem:v13+s17+$0x0], $0xffff;
	v4 =	vmul.f32 v6, v4;
	v14 =	vadd.f32 v15, v14  }
0x9d: {  	v12 =	vld.idx.msk [tilespmem:v12+s18+$0x0], $0xffff;
	v36 =	vor.u32 s0, v1  }
0x9e: {  	s2 =	sadd.s32 $0xFFFFFFFB, s31;
	v10 =	vld.idx.msk [tilespmem:v10+s17+$0x0], $0xffff;
	v37 =	vor.u32 s0, v2;
	v3 =	vmul.f32 v7, v3;
	v4 =	vadd.f32 v4, v14  }
0x9f: {  	v9 =	vld.idx.msk [tilespmem:v9+s18+$0x0], $0xffff;
	v38 =	vor.u32 s2, v1  }
0xa0: {  	v11 =	vld.idx.msk [tilespmem:v11+s17+$0x0], $0xffff;
	v39 =	vor.u32 s2, v2;
	s2 =	sadd.s32 $0xFFFFFFFC, s31;
	v40 =	vmul.f32 v8, v5;
	v3 =	vadd.f32 v3, v4  }
0xa1: {  	v42 =	vor.u32 s2, v1;
	v41 =	vld.idx.msk [tilespmem:v16+s18+$0x0], $0xffff  }
0xa2: {  	v43 =	vor.u32 s2, v2;
	s2 =	sadd.s32 $0xFFFFFFFD, s31;
	v44 =	vmul.f32 v12, v13;
	v6 =	vld.idx.msk [tilespmem:v36+s17+$0x0], $0xffff;
	v3 =	vadd.f32 v40, v3  }
0xa3: {  	v46 =	vor.u32 s2, v1;
	v45 =	vld.idx.msk [tilespmem:v37+s18+$0x0], $0xffff  }
0xa4: {  	v47 =	vor.u32 s2, v2;
	s2 =	sadd.s32 $0xFFFFFFFE, s31;
	v48 =	vmul.f32 v9, v10;
	v7 =	vld.idx.msk [tilespmem:v38+s17+$0x0], $0xffff;
	v3 =	vadd.f32 v44, v3  }
0xa5: {  	v50 =	vor.u32 s2, v1;
	v49 =	vld.idx.msk [tilespmem:v39+s18+$0x0], $0xffff  }
0xa6: {  	v51 =	vor.u32 s2, v2;
	s2 =	sadd.s32 $0xFFFFFFFF, s31;
	v8 =	vld.idx.msk [tilespmem:v42+s17+$0x0], $0xffff;
	v5 =	vmul.f32 v41, v11;
	v3 =	vadd.f32 v48, v3  }
0xa7: {  	v53 =	vor.u32 s2, v1;
	v52 =	vld.idx.msk [tilespmem:v43+s18+$0x0], $0xffff  }
0xa8: {  	v54 =	vor.u32 s2, v2;
	v13 =	vld.idx.msk [tilespmem:v46+s17+$0x0], $0xffff;
	v55 =	vmul.f32 v45, v6;
	v3 =	vadd.f32 v5, v3  }
0xa9: {  	v1 =	vor.u32 s31, v1;
	v56 =	vld.idx.msk [tilespmem:v47+s18+$0x0], $0xffff  }
0xaa: {  	v2 =	vor.u32 s31, v2;
	v10 =	vld.idx.msk [tilespmem:v50+s17+$0x0], $0xffff;
	v57 =	vmul.f32 v49, v7;
	v3 =	vadd.f32 v55, v3  }
0xab: {  	v58 =	vld.idx.msk [tilespmem:v51+s18+$0x0], $0xffff  }
0xac: {  	v59 =	vld.idx.msk [tilespmem:v53+s17+$0x0], $0xffff;
	v4 =	vmul.f32 v52, v8;
	v3 =	vadd.f32 v57, v3  }
0xad: {  	v60 =	vld.idx.msk [tilespmem:v54+s18+$0x0], $0xffff  }
0xae: {  	v1 =	vld.idx.msk [tilespmem:v1+s17+$0x0], $0xffff;
	v61 =	vmul.f32 v56, v13;
	v3 =	vadd.f32 v4, v3  }
0xaf: {  	v2 =	vld.idx.msk [tilespmem:v2+s18+$0x0], $0xffff  }
0xb0: {  	v62 =	vmul.f32 v58, v10;
	v3 =	vadd.f32 v61, v3;
	_ =	sdelay $0x1  }
0xb1: {  	s29 =	sadd.s32 $0x1, s29;
	v63 =	vmul.f32 v60, v59;
	v3 =	vadd.f32 v62, v3  }
0xb2: {  	p0 =	sne.s32 s29, $0x8  }
.Ltmp3:
0xb3: {  	v1 =	vmul.f32 v2, v1;
	v3 =	vadd.f32 v63, v3;
	(pc) =	sbr.rel @p0 .LBB2_6-.Ltmp3, $3  }
0xb4: {  	_ = 	snop  }
0xb5: {  	v1 =	vadd.f32 v1, v3;
	_ =	sdelay $0x1  }
0xb6: {  	[tilespmem:s30+$0x8480] =	vst v1  }
0xb7: {  	s29 =	simm.s32 $0x0  }
0xb8: {  	[tilespmem:s22], [sflag:$0x3] =	stream.linear.gather [hbm4b:s8+s29], $0x80, $0x38;
	[tilespmem:$0x8600] =	vst v63  }
0xb9: {  	_ =	swait.ge [sflag:s14], $0x80  }
0xba: {  	[sflag:s14] =	ssyncset.done $0x0  }
0xbb: {  	[sflag:s14] =	ssyncadd.s32 $0xFFFFFF80  }
0xbc: {  	[tilespmem:s23], [sflag:$0x3] =	stream.linear.gather [hbm4b:s9+s29], $0x80, $0x38;
	[tilespmem:$0x8600] =	vst v63  }
0xbd: {  	_ =	swait.ge [sflag:s14], $0x80  }
0xbe: {  	[sflag:s14] =	ssyncset.done $0x0  }
0xbf: {  	[sflag:s14] =	ssyncadd.s32 $0xFFFFFF80  }
0xc0: {  	[tilespmem:s17], [sflag:$0x1] =	stream.indirect.gather [hbm4b:s3+s16], $0x80, s22, s16, $0xb8;
	[tilespmem:$0x8600] =	vst v63  }
0xc1: {  	_ = 	snop  }
0xc2: {  	[tilespmem:s18], [sflag:$0x2] =	stream.indirect.gather [hbm4b:s3+s16], $0x80, s23, s16, $0xb8;
	[tilespmem:$0x8600] =	vst v63  }
0xc3: {  	_ =	swait.ge [sflag:s19], $0x4000  }
0xc4: {  	[sflag:s19] =	ssyncset.done $0x0  }
0xc5: {  	[sflag:s19] =	ssyncadd.s32 $0xFFFFC000  }
0xc6: {  	_ =	swait.ge [sflag:s20], $0x4000  }
0xc7: {  	[sflag:s20] =	ssyncset.done $0x0  }
0xc8: {  	[sflag:s20] =	ssyncadd.s32 $0xFFFFC000  }
.LBB2_10:
0xc9: {  	s30 =	sshll.u32 s29, $0x4  }
0xca: {  	v1 =	vmov s30  }
0xcb: {  	v1 =	vshll.u32 v1, $0x7  }
0xcc: {  	s0 =	simm.s32 $0x0;
	v1 =	vor.u32 v0, v1  }
0xcd: {  	s2 =	simm.s32 $0x1;
	v3 =	vor.u32 s0, v1  }
0xce: {  	v2 =	vor.u32 $0x40, v1;
	v5 =	vor.u32 s2, v1  }
0xcf: {  	v4 =	vor.u32 s0, v2  }
0xd0: {  	v6 =	vor.u32 s2, v2;
	s2 =	simm.s32 $0x2  }
0xd1: {  	v7 =	vor.u32 s2, v1  }
0xd2: {  	v8 =	vor.u32 s2, v2;
	s2 =	simm.s32 $0x3;
	v3 =	vld.idx.msk [tilespmem:v3+s17+$0x0], $0xffff  }
0xd3: {  	v10 =	vor.u32 s2, v2;
	v5 =	vld.idx.msk [tilespmem:v5+s17+$0x0], $0xffff  }
0xd4: {  	v9 =	vld.idx.msk [tilespmem:v4+s18+$0x0], $0xffff;
	v4 =	vor.u32 s2, v1;
	s2 =	simm.s32 $0x4  }
0xd5: {  	v11 =	vld.idx.msk [tilespmem:v6+s18+$0x0], $0xffff;
	v12 =	vor.u32 s2, v1  }
0xd6: {  	v15 =	vld.idx.msk [tilespmem:v7+s17+$0x0], $0xffff;
	v7 =	vor.u32 s2, v2;
	s2 =	simm.s32 $0x5  }
0xd7: {  	v8 =	vld.idx.msk [tilespmem:v8+s18+$0x0], $0xffff;
	v14 =	vor.u32 s2, v1  }
0xd8: {  	v16 =	vor.u32 s2, v2;
	v6 =	vld.idx.msk [tilespmem:v10+s18+$0x0], $0xffff;
	s2 =	simm.s32 $0x6  }
0xd9: {  	v13 =	vor.u32 s2, v1;
	v4 =	vld.idx.msk [tilespmem:v4+s17+$0x0], $0xffff;
	v9 =	vmul.f32 v9, v3  }
0xda: {  	s31 =	simm.s32 $0x7;
	v10 =	vimm.f32 $0.0e+00;
	v3 =	vld.idx.msk [tilespmem:v12+s17+$0x0], $0xffff;
	v12 =	vor.u32 s2, v2  }
0xdb: {  	v18 =	vmul.f32 v11, v5;
	v7 =	vld.idx.msk [tilespmem:v7+s18+$0x0], $0xffff;
	v17 =	vadd.f32 v9, v10;
	v10 =	vor.u32 s31, v1  }
0xdc: {  	s2 =	simm.s32 $0x8;
	v5 =	vld.idx.msk [tilespmem:v14+s17+$0x0], $0xffff;
	v9 =	vor.u32 s31, v2  }
0xdd: {  	s0 =	simm.s32 $0x17;
	v15 =	vmul.f32 v8, v15;
	s31 =	simm.s32 $0xF;
	v11 =	vor.u32 s2, v1;
	v8 =	vld.idx.msk [tilespmem:v16+s18+$0x0], $0xffff;
	v14 =	vadd.f32 v18, v17  }
.LBB2_11:
0xde: {  	p0 =	sne.s32 s0, $0x3F;
	v16 =	vor.u32 s2, v2;
	s2 =	sadd.s32 $0xFFFFFFFA, s31;
	v13 =	vld.idx.msk [tilespmem:v13+s17+$0x0], $0xffff  }
0xdf: {  	v4 =	vmul.f32 v6, v4;
	v17 =	vor.u32 s2, v1;
	v14 =	vadd.f32 v15, v14;
	v6 =	vld.idx.msk [tilespmem:v12+s18+$0x0], $0xffff  }
0xe0: {  	v12 =	vor.u32 s2, v2;
	s2 =	sadd.s32 $0xFFFFFFFB, s31;
	v10 =	vld.idx.msk [tilespmem:v10+s17+$0x0], $0xffff  }
0xe1: {  	v15 =	vor.u32 s2, v1;
	v3 =	vmul.f32 v7, v3;
	v4 =	vadd.f32 v4, v14;
	v7 =	vld.idx.msk [tilespmem:v9+s18+$0x0], $0xffff  }
0xe2: {  	v9 =	vld.idx.msk [tilespmem:v11+s17+$0x0], $0xffff;
	v11 =	vor.u32 s2, v2;
	s2 =	sadd.s32 $0xFFFFFFFC, s31  }
0xe3: {  	v14 =	vld.idx.msk [tilespmem:v16+s18+$0x0], $0xffff;
	v16 =	vor.u32 s2, v1;
	v3 =	vadd.f32 v3, v4;
	v4 =	vmul.f32 v8, v5  }
0xe4: {  	v8 =	vor.u32 s2, v2;
	s2 =	sadd.s32 $0xFFFFFFFD, s31;
	v5 =	vld.idx.msk [tilespmem:v17+s17+$0x0], $0xffff  }
0xe5: {  	v17 =	vld.idx.msk [tilespmem:v12+s18+$0x0], $0xffff;
	v12 =	vor.u32 s2, v1;
	v3 =	vadd.f32 v4, v3;
	v4 =	vmul.f32 v6, v13  }
0xe6: {  	v18 =	vor.u32 s2, v2;
	s2 =	sadd.s32 $0xFFFFFFFE, s31;
	v15 =	vld.idx.msk [tilespmem:v15+s17+$0x0], $0xffff  }
0xe7: {  	v7 =	vmul.f32 v7, v10;
	v19 =	vld.idx.msk [tilespmem:v11+s18+$0x0], $0xffff;
	v11 =	vor.u32 s2, v1;
	v3 =	vadd.f32 v4, v3  }
0xe8: {  	v4 =	vld.idx.msk [tilespmem:v16+s17+$0x0], $0xffff;
	v16 =	vor.u32 s2, v2;
	s2 =	sadd.s32 $0xFFFFFFFF, s31  }
.Ltmp4:
0xe9: {  	v9 =	vmul.f32 v14, v9;
	v6 =	vld.idx.msk [tilespmem:v8+s18+$0x0], $0xffff;
	v13 =	vor.u32 s2, v1;
	v7 =	vadd.f32 v7, v3;
	(pc) =	sbr.rel @p0 .LBB2_11-.Ltmp4, $4  }
0xea: {  	v3 =	vld.idx.msk [tilespmem:v12+s17+$0x0], $0xffff;
	v12 =	vor.u32 s2, v2  }
0xeb: {  	v10 =	vor.u32 s31, v1;
	v14 =	vmul.f32 v17, v5;
	v8 =	vadd.f32 v9, v7;
	v7 =	vld.idx.msk [tilespmem:v18+s18+$0x0], $0xffff  }
0xec: {  	s2 =	sadd.s32 $0xFFFFFFF9, s0;
	v9 =	vor.u32 s31, v2;
	s31 =	smov.u32 s0;
	v5 =	vld.idx.msk [tilespmem:v11+s17+$0x0], $0xffff  }
0xed: {  	s0 =	sadd.s32 $0x8, s0;
	v11 =	vor.u32 s2, v1;
	v15 =	vmul.f32 v19, v15;
	v14 =	vadd.f32 v14, v8;
	v8 =	vld.idx.msk [tilespmem:v16+s18+$0x0], $0xffff  }
0xee: {  	_ =	sdelay $0x3  }
0xef: {  	v16 =	vor.u32 s2, v2;
	s0 =	sadd.s32 $0xFFFFFFFA, s31;
	v13 =	vld.idx.msk [tilespmem:v13+s17+$0x0], $0xffff;
	v4 =	vmul.f32 v6, v4;
	v14 =	vadd.f32 v15, v14  }
0xf0: {  	v12 =	vld.idx.msk [tilespmem:v12+s18+$0x0], $0xffff;
	v36 =	vor.u32 s0, v1  }
0xf1: {  	s2 =	sadd.s32 $0xFFFFFFFB, s31;
	v10 =	vld.idx.msk [tilespmem:v10+s17+$0x0], $0xffff;
	v37 =	vor.u32 s0, v2;
	v3 =	vmul.f32 v7, v3;
	v4 =	vadd.f32 v4, v14  }
0xf2: {  	v9 =	vld.idx.msk [tilespmem:v9+s18+$0x0], $0xffff;
	v38 =	vor.u32 s2, v1  }
0xf3: {  	v11 =	vld.idx.msk [tilespmem:v11+s17+$0x0], $0xffff;
	v39 =	vor.u32 s2, v2;
	s2 =	sadd.s32 $0xFFFFFFFC, s31;
	v40 =	vmul.f32 v8, v5;
	v3 =	vadd.f32 v3, v4  }
0xf4: {  	v42 =	vor.u32 s2, v1;
	v41 =	vld.idx.msk [tilespmem:v16+s18+$0x0], $0xffff  }
0xf5: {  	v43 =	vor.u32 s2, v2;
	s2 =	sadd.s32 $0xFFFFFFFD, s31;
	v44 =	vmul.f32 v12, v13;
	v6 =	vld.idx.msk [tilespmem:v36+s17+$0x0], $0xffff;
	v3 =	vadd.f32 v40, v3  }
0xf6: {  	v46 =	vor.u32 s2, v1;
	v45 =	vld.idx.msk [tilespmem:v37+s18+$0x0], $0xffff  }
0xf7: {  	v47 =	vor.u32 s2, v2;
	s2 =	sadd.s32 $0xFFFFFFFE, s31;
	v48 =	vmul.f32 v9, v10;
	v7 =	vld.idx.msk [tilespmem:v38+s17+$0x0], $0xffff;
	v3 =	vadd.f32 v44, v3  }
0xf8: {  	v50 =	vor.u32 s2, v1;
	v49 =	vld.idx.msk [tilespmem:v39+s18+$0x0], $0xffff  }
0xf9: {  	v51 =	vor.u32 s2, v2;
	s2 =	sadd.s32 $0xFFFFFFFF, s31;
	v8 =	vld.idx.msk [tilespmem:v42+s17+$0x0], $0xffff;
	v5 =	vmul.f32 v41, v11;
	v3 =	vadd.f32 v48, v3  }
0xfa: {  	v53 =	vor.u32 s2, v1;
	v52 =	vld.idx.msk [tilespmem:v43+s18+$0x0], $0xffff  }
0xfb: {  	v54 =	vor.u32 s2, v2;
	v13 =	vld.idx.msk [tilespmem:v46+s17+$0x0], $0xffff;
	v55 =	vmul.f32 v45, v6;
	v3 =	vadd.f32 v5, v3  }
0xfc: {  	v1 =	vor.u32 s31, v1;
	v56 =	vld.idx.msk [tilespmem:v47+s18+$0x0], $0xffff  }
0xfd: {  	v2 =	vor.u32 s31, v2;
	v10 =	vld.idx.msk [tilespmem:v50+s17+$0x0], $0xffff;
	v57 =	vmul.f32 v49, v7;
	v3 =	vadd.f32 v55, v3  }
0xfe: {  	v58 =	vld.idx.msk [tilespmem:v51+s18+$0x0], $0xffff  }
0xff: {  	v59 =	vld.idx.msk [tilespmem:v53+s17+$0x0], $0xffff;
	v4 =	vmul.f32 v52, v8;
	v3 =	vadd.f32 v57, v3  }
0x100: {  	v60 =	vld.idx.msk [tilespmem:v54+s18+$0x0], $0xffff  }
0x101: {  	v1 =	vld.idx.msk [tilespmem:v1+s17+$0x0], $0xffff;
	v61 =	vmul.f32 v56, v13;
	v3 =	vadd.f32 v4, v3  }
0x102: {  	v2 =	vld.idx.msk [tilespmem:v2+s18+$0x0], $0xffff  }
0x103: {  	v62 =	vmul.f32 v58, v10;
	v3 =	vadd.f32 v61, v3;
	_ =	sdelay $0x1  }
0x104: {  	s29 =	sadd.s32 $0x1, s29;
	v63 =	vmul.f32 v60, v59;
	v3 =	vadd.f32 v62, v3  }
0x105: {  	p0 =	sne.s32 s29, $0x8  }
.Ltmp5:
0x106: {  	v1 =	vmul.f32 v2, v1;
	v3 =	vadd.f32 v63, v3;
	(pc) =	sbr.rel @p0 .LBB2_10-.Ltmp5, $3  }
0x107: {  	_ = 	snop  }
0x108: {  	v1 =	vadd.f32 v1, v3;
	_ =	sdelay $0x1  }
0x109: {  	[tilespmem:s30+$0x8500] =	vst v1  }
0x10a: {  	s29 =	simm.s32 $0x0  }
0x10b: {  	[tilespmem:s24], [sflag:$0x3] =	stream.linear.gather [hbm4b:s10+s29], $0x80, $0x38;
	[tilespmem:$0x8600] =	vst v63  }
0x10c: {  	_ =	swait.ge [sflag:s14], $0x80  }
0x10d: {  	[sflag:s14] =	ssyncset.done $0x0  }
0x10e: {  	[sflag:s14] =	ssyncadd.s32 $0xFFFFFF80  }
0x10f: {  	[tilespmem:s25], [sflag:$0x3] =	stream.linear.gather [hbm4b:s11+s29], $0x80, $0x38;
	[tilespmem:$0x8600] =	vst v63  }
0x110: {  	_ =	swait.ge [sflag:s14], $0x80  }
0x111: {  	[sflag:s14] =	ssyncset.done $0x0  }
0x112: {  	[sflag:s14] =	ssyncadd.s32 $0xFFFFFF80  }
0x113: {  	[tilespmem:s17], [sflag:$0x1] =	stream.indirect.gather [hbm4b:s3+s16], $0x80, s24, s16, $0xb8;
	[tilespmem:$0x8600] =	vst v63  }
0x114: {  	_ = 	snop  }
0x115: {  	[tilespmem:s18], [sflag:$0x2] =	stream.indirect.gather [hbm4b:s3+s16], $0x80, s25, s16, $0xb8;
	[tilespmem:$0x8600] =	vst v63  }
0x116: {  	_ =	swait.ge [sflag:s19], $0x4000  }
0x117: {  	[sflag:s19] =	ssyncset.done $0x0  }
0x118: {  	[sflag:s19] =	ssyncadd.s32 $0xFFFFC000  }
0x119: {  	_ =	swait.ge [sflag:s20], $0x4000  }
0x11a: {  	[sflag:s20] =	ssyncset.done $0x0  }
0x11b: {  	[sflag:s20] =	ssyncadd.s32 $0xFFFFC000  }
.LBB2_14:
0x11c: {  	s30 =	sshll.u32 s29, $0x4  }
0x11d: {  	v1 =	vmov s30  }
0x11e: {  	v1 =	vshll.u32 v1, $0x7  }
0x11f: {  	s0 =	simm.s32 $0x0;
	v1 =	vor.u32 v0, v1  }
0x120: {  	s2 =	simm.s32 $0x1;
	v3 =	vor.u32 s0, v1  }
0x121: {  	v2 =	vor.u32 $0x40, v1;
	v5 =	vor.u32 s2, v1  }
0x122: {  	v4 =	vor.u32 s0, v2  }
0x123: {  	v6 =	vor.u32 s2, v2;
	s2 =	simm.s32 $0x2  }
0x124: {  	v7 =	vor.u32 s2, v1  }
0x125: {  	v8 =	vor.u32 s2, v2;
	s2 =	simm.s32 $0x3;
	v3 =	vld.idx.msk [tilespmem:v3+s17+$0x0], $0xffff  }
0x126: {  	v10 =	vor.u32 s2, v2;
	v5 =	vld.idx.msk [tilespmem:v5+s17+$0x0], $0xffff  }
0x127: {  	v9 =	vld.idx.msk [tilespmem:v4+s18+$0x0], $0xffff;
	v4 =	vor.u32 s2, v1;
	s2 =	simm.s32 $0x4  }
0x128: {  	v11 =	vld.idx.msk [tilespmem:v6+s18+$0x0], $0xffff;
	v12 =	vor.u32 s2, v1  }
0x129: {  	v15 =	vld.idx.msk [tilespmem:v7+s17+$0x0], $0xffff;
	v7 =	vor.u32 s2, v2;
	s2 =	simm.s32 $0x5  }
0x12a: {  	v8 =	vld.idx.msk [tilespmem:v8+s18+$0x0], $0xffff;
	v14 =	vor.u32 s2, v1  }
0x12b: {  	v16 =	vor.u32 s2, v2;
	v6 =	vld.idx.msk [tilespmem:v10+s18+$0x0], $0xffff;
	s2 =	simm.s32 $0x6  }
0x12c: {  	v13 =	vor.u32 s2, v1;
	v4 =	vld.idx.msk [tilespmem:v4+s17+$0x0], $0xffff;
	v9 =	vmul.f32 v9, v3  }
0x12d: {  	s31 =	simm.s32 $0x7;
	v10 =	vimm.f32 $0.0e+00;
	v3 =	vld.idx.msk [tilespmem:v12+s17+$0x0], $0xffff;
	v12 =	vor.u32 s2, v2  }
0x12e: {  	v18 =	vmul.f32 v11, v5;
	v7 =	vld.idx.msk [tilespmem:v7+s18+$0x0], $0xffff;
	v17 =	vadd.f32 v9, v10;
	v10 =	vor.u32 s31, v1  }
0x12f: {  	s2 =	simm.s32 $0x8;
	v5 =	vld.idx.msk [tilespmem:v14+s17+$0x0], $0xffff;
	v9 =	vor.u32 s31, v2  }
0x130: {  	s0 =	simm.s32 $0x17;
	v15 =	vmul.f32 v8, v15;
	s31 =	simm.s32 $0xF;
	v11 =	vor.u32 s2, v1;
	v8 =	vld.idx.msk [tilespmem:v16+s18+$0x0], $0xffff;
	v14 =	vadd.f32 v18, v17  }
.LBB2_15:
0x131: {  	p0 =	sne.s32 s0, $0x3F;
	v16 =	vor.u32 s2, v2;
	s2 =	sadd.s32 $0xFFFFFFFA, s31;
	v13 =	vld.idx.msk [tilespmem:v13+s17+$0x0], $0xffff  }
0x132: {  	v4 =	vmul.f32 v6, v4;
	v17 =	vor.u32 s2, v1;
	v14 =	vadd.f32 v15, v14;
	v6 =	vld.idx.msk [tilespmem:v12+s18+$0x0], $0xffff  }
0x133: {  	v12 =	vor.u32 s2, v2;
	s2 =	sadd.s32 $0xFFFFFFFB, s31;
	v10 =	vld.idx.msk [tilespmem:v10+s17+$0x0], $0xffff  }
0x134: {  	v15 =	vor.u32 s2, v1;
	v3 =	vmul.f32 v7, v3;
	v4 =	vadd.f32 v4, v14;
	v7 =	vld.idx.msk [tilespmem:v9+s18+$0x0], $0xffff  }
0x135: {  	v9 =	vld.idx.msk [tilespmem:v11+s17+$0x0], $0xffff;
	v11 =	vor.u32 s2, v2;
	s2 =	sadd.s32 $0xFFFFFFFC, s31  }
0x136: {  	v14 =	vld.idx.msk [tilespmem:v16+s18+$0x0], $0xffff;
	v16 =	vor.u32 s2, v1;
	v3 =	vadd.f32 v3, v4;
	v4 =	vmul.f32 v8, v5  }
0x137: {  	v8 =	vor.u32 s2, v2;
	s2 =	sadd.s32 $0xFFFFFFFD, s31;
	v5 =	vld.idx.msk [tilespmem:v17+s17+$0x0], $0xffff  }
0x138: {  	v17 =	vld.idx.msk [tilespmem:v12+s18+$0x0], $0xffff;
	v12 =	vor.u32 s2, v1;
	v3 =	vadd.f32 v4, v3;
	v4 =	vmul.f32 v6, v13  }
0x139: {  	v18 =	vor.u32 s2, v2;
	s2 =	sadd.s32 $0xFFFFFFFE, s31;
	v15 =	vld.idx.msk [tilespmem:v15+s17+$0x0], $0xffff  }
0x13a: {  	v7 =	vmul.f32 v7, v10;
	v19 =	vld.idx.msk [tilespmem:v11+s18+$0x0], $0xffff;
	v11 =	vor.u32 s2, v1;
	v3 =	vadd.f32 v4, v3  }
0x13b: {  	v4 =	vld.idx.msk [tilespmem:v16+s17+$0x0], $0xffff;
	v16 =	vor.u32 s2, v2;
	s2 =	sadd.s32 $0xFFFFFFFF, s31  }
.Ltmp6:
0x13c: {  	v9 =	vmul.f32 v14, v9;
	v6 =	vld.idx.msk [tilespmem:v8+s18+$0x0], $0xffff;
	v13 =	vor.u32 s2, v1;
	v7 =	vadd.f32 v7, v3;
	(pc) =	sbr.rel @p0 .LBB2_15-.Ltmp6, $4  }
0x13d: {  	v3 =	vld.idx.msk [tilespmem:v12+s17+$0x0], $0xffff;
	v12 =	vor.u32 s2, v2  }
0x13e: {  	v10 =	vor.u32 s31, v1;
	v14 =	vmul.f32 v17, v5;
	v8 =	vadd.f32 v9, v7;
	v7 =	vld.idx.msk [tilespmem:v18+s18+$0x0], $0xffff  }
0x13f: {  	s2 =	sadd.s32 $0xFFFFFFF9, s0;
	v9 =	vor.u32 s31, v2;
	s31 =	smov.u32 s0;
	v5 =	vld.idx.msk [tilespmem:v11+s17+$0x0], $0xffff  }
0x140: {  	s0 =	sadd.s32 $0x8, s0;
	v11 =	vor.u32 s2, v1;
	v15 =	vmul.f32 v19, v15;
	v14 =	vadd.f32 v14, v8;
	v8 =	vld.idx.msk [tilespmem:v16+s18+$0x0], $0xffff  }
0x141: {  	_ =	sdelay $0x3  }
0x142: {  	v16 =	vor.u32 s2, v2;
	s0 =	sadd.s32 $0xFFFFFFFA, s31;
	v13 =	vld.idx.msk [tilespmem:v13+s17+$0x0], $0xffff;
	v4 =	vmul.f32 v6, v4;
	v14 =	vadd.f32 v15, v14  }
0x143: {  	v12 =	vld.idx.msk [tilespmem:v12+s18+$0x0], $0xffff;
	v36 =	vor.u32 s0, v1  }
0x144: {  	s2 =	sadd.s32 $0xFFFFFFFB, s31;
	v10 =	vld.idx.msk [tilespmem:v10+s17+$0x0], $0xffff;
	v37 =	vor.u32 s0, v2;
	v3 =	vmul.f32 v7, v3;
	v4 =	vadd.f32 v4, v14  }
0x145: {  	v9 =	vld.idx.msk [tilespmem:v9+s18+$0x0], $0xffff;
	v38 =	vor.u32 s2, v1  }
0x146: {  	v11 =	vld.idx.msk [tilespmem:v11+s17+$0x0], $0xffff;
	v39 =	vor.u32 s2, v2;
	s2 =	sadd.s32 $0xFFFFFFFC, s31;
	v40 =	vmul.f32 v8, v5;
	v3 =	vadd.f32 v3, v4  }
0x147: {  	v42 =	vor.u32 s2, v1;
	v41 =	vld.idx.msk [tilespmem:v16+s18+$0x0], $0xffff  }
0x148: {  	v43 =	vor.u32 s2, v2;
	s2 =	sadd.s32 $0xFFFFFFFD, s31;
	v44 =	vmul.f32 v12, v13;
	v6 =	vld.idx.msk [tilespmem:v36+s17+$0x0], $0xffff;
	v3 =	vadd.f32 v40, v3  }
0x149: {  	v46 =	vor.u32 s2, v1;
	v45 =	vld.idx.msk [tilespmem:v37+s18+$0x0], $0xffff  }
0x14a: {  	v47 =	vor.u32 s2, v2;
	s2 =	sadd.s32 $0xFFFFFFFE, s31;
	v48 =	vmul.f32 v9, v10;
	v7 =	vld.idx.msk [tilespmem:v38+s17+$0x0], $0xffff;
	v3 =	vadd.f32 v44, v3  }
0x14b: {  	v50 =	vor.u32 s2, v1;
	v49 =	vld.idx.msk [tilespmem:v39+s18+$0x0], $0xffff  }
0x14c: {  	v51 =	vor.u32 s2, v2;
	s2 =	sadd.s32 $0xFFFFFFFF, s31;
	v8 =	vld.idx.msk [tilespmem:v42+s17+$0x0], $0xffff;
	v5 =	vmul.f32 v41, v11;
	v3 =	vadd.f32 v48, v3  }
0x14d: {  	v53 =	vor.u32 s2, v1;
	v52 =	vld.idx.msk [tilespmem:v43+s18+$0x0], $0xffff  }
0x14e: {  	v54 =	vor.u32 s2, v2;
	v13 =	vld.idx.msk [tilespmem:v46+s17+$0x0], $0xffff;
	v55 =	vmul.f32 v45, v6;
	v3 =	vadd.f32 v5, v3  }
0x14f: {  	v1 =	vor.u32 s31, v1;
	v56 =	vld.idx.msk [tilespmem:v47+s18+$0x0], $0xffff  }
0x150: {  	v2 =	vor.u32 s31, v2;
	v10 =	vld.idx.msk [tilespmem:v50+s17+$0x0], $0xffff;
	v57 =	vmul.f32 v49, v7;
	v3 =	vadd.f32 v55, v3  }
0x151: {  	v58 =	vld.idx.msk [tilespmem:v51+s18+$0x0], $0xffff  }
0x152: {  	v59 =	vld.idx.msk [tilespmem:v53+s17+$0x0], $0xffff;
	v4 =	vmul.f32 v52, v8;
	v3 =	vadd.f32 v57, v3  }
0x153: {  	v60 =	vld.idx.msk [tilespmem:v54+s18+$0x0], $0xffff  }
0x154: {  	v1 =	vld.idx.msk [tilespmem:v1+s17+$0x0], $0xffff;
	v61 =	vmul.f32 v56, v13;
	v3 =	vadd.f32 v4, v3  }
0x155: {  	v2 =	vld.idx.msk [tilespmem:v2+s18+$0x0], $0xffff  }
0x156: {  	v62 =	vmul.f32 v58, v10;
	v3 =	vadd.f32 v61, v3;
	_ =	sdelay $0x1  }
0x157: {  	s29 =	sadd.s32 $0x1, s29;
	v63 =	vmul.f32 v60, v59;
	v3 =	vadd.f32 v62, v3  }
0x158: {  	p0 =	sne.s32 s29, $0x8  }
.Ltmp7:
0x159: {  	v1 =	vmul.f32 v2, v1;
	v3 =	vadd.f32 v63, v3;
	(pc) =	sbr.rel @p0 .LBB2_14-.Ltmp7, $3  }
0x15a: {  	_ = 	snop  }
0x15b: {  	v1 =	vadd.f32 v1, v3;
	_ =	sdelay $0x1  }
0x15c: {  	[tilespmem:s30+$0x8580] =	vst v1  }
0x15d: {  	s28 =	sadd.s32 $0x1, s28  }
0x15e: {  	p0 =	sne.s32 s28, s13  }
.Ltmp8:
0x15f: {  	_ = 	snop;
	(pc) =	sbr.rel @p0 .LBB2_1-.Ltmp8, $4  }
0x160: {  	[hbm4b:s12+s1] =	stream.linear.scatter [tilespmem:s26], [sflag:$0x3], $0x200, $0x38;
	[tilespmem:$0x8600] =	vst v63  }
0x161: {  	_ =	swait.ge [sflag:s14], $0x200  }
0x162: {  	[sflag:s14] =	ssyncset.done $0x0  }
0x163: {  	[sflag:s14] =	ssyncadd.s32 $0xFFFFFE00  }
0x164: {  	_ =	sfence.sel $0x180000  }
0x165: {  	[bflag:$0x0] =	sbarrier.arrive $0xFFFF  }
0x166: {  	_ =	strace $0x90000047  }
0x167: {  	s0 =	stileid.u32;
	[bflag:$0x2] =	sbarrier.arrive $0xFFFF  }
0x168: {  	p0 =	sne.s32 s0, $0x0;
	s0 =	rddreg [dreg:$0x4]  }
0x169: {  	s0 =	sadd.s32 @!p0 $0x100000, s0  }
0x16a: {  	[sflag:s0] =	ssyncadd.tile.s32 @!p0 $0x1;
	_ =	shalt  }
.Lfunc_end2:
_tile_overlayer_lowered:
.L_overlay_start_2:
0x16b: {  	(tag) =	ssettag $0x2  }
0x16c: {  	s0 =	rddreg [dreg:$0x0];
	s2 =	stileid.u32  }
0x16d: {  	s1 =	rddreg [dreg:$0x1];
	p0 =	sne.s32 s2, $0x0  }
0x16e: {  	s3 =	rddreg [dreg:$0x2];
	[bflag:$0x3] =	sbarrier.arrive $0xFFFF;
	s2 =	simm.s32 @!p0 $0x1C03  }
0x16f: {  	[timem:s3], [sflag:s2] =	dma.local @!p0 [hbm:s0], s1  }
0x170: {  	s0 =	simm.s32 @!p0 $0x3  }
0x171: {  	_ =	swait.ge @!p0 [sflag:s0], s1  }
0x172: {  	s1 =	ssub.s32 @!p0 $0x0, s1;
	[sflag:s0] =	ssyncset.done @!p0 $0x0  }
0x173: {  	[sflag:s0] =	ssyncadd.s32 @!p0 s1  }
0x174: {  	[bflag:$0x3] =	sbarrier.arrive $0xFFFF  }
0x175: {  	_ =	shalt  }

</sc_bundles>
